<compile_context>
chip_gen: v7x
topology: tpu7x:2x2x1
jax: 0.10.2.dev20260603
libtpu: 0.0.44.dev20260713+nightly
codegen_flags: <defaults>
</compile_context>

<pallas_src>
import functools

import jax
import jax.numpy as jnp
from jax import lax
from jax.experimental import pallas as pl
from jax.experimental.pallas import tpu as pltpu
from jax.experimental.pallas import tpu_sc as plsc

N = 10000
E = 320000
D = 128
L = 16
NC = 2
NS = 16
NW = NC * NS
C = 128
EPT = E // NW
NCHUNK = -(-EPT // C)
EPT_PAD = NCHUNK * C
ROWS_PER_TILE = 632
SROWS = NS * ROWS_PER_TILE
RPT_OUT = 624
TAIL = N - NS * RPT_OUT


def _tc1_body(h_ref, wsT_ref, wfT_ref, wa2_ref, hs_ref, z_ref, aa_ref):
    h = h_ref[...]
    z = jnp.dot(h, wfT_ref[...], preferred_element_type=jnp.float32)
    hs_ref[...] = jnp.dot(h, wsT_ref[...], preferred_element_type=jnp.float32)
    z_ref[...] = z
    aa_ref[...] = jnp.dot(z, wa2_ref[...], preferred_element_type=jnp.float32)


def _tc1(h, wsT, wfT, wa2):
    B = 2000
    return pl.pallas_call(
        _tc1_body,
        grid=(N // B,),
        in_specs=[
            pl.BlockSpec((B, D), lambda i: (i, 0)),
            pl.BlockSpec((D, D), lambda i: (0, 0)),
            pl.BlockSpec((D, D), lambda i: (0, 0)),
            pl.BlockSpec((D, 2 * L), lambda i: (0, 0)),
        ],
        out_specs=[
            pl.BlockSpec((B, D), lambda i: (i, 0)),
            pl.BlockSpec((B, D), lambda i: (i, 0)),
            pl.BlockSpec((B, 2 * L), lambda i: (i, 0)),
        ],
        out_shape=[
            jax.ShapeDtypeStruct((N, D), jnp.float32),
            jax.ShapeDtypeStruct((N, D), jnp.float32),
            jax.ShapeDtypeStruct((N, 2 * L), jnp.float32),
        ],
    )(h, wsT, wfT, wa2)



_MESH = plsc.VectorSubcoreMesh(core_axis_name="c", subcore_axis_name="s")


@functools.partial(
    pl.kernel,
    out_type=(
        jax.ShapeDtypeStruct((NC, N, D), jnp.float32),
        jax.ShapeDtypeStruct((NC, N, L), jnp.float32),
    ),
    mesh=_MESH,
    compiler_params=pltpu.CompilerParams(needs_layout_passes=False,
                                         use_tc_tiling_on_sc=False),
    scratch_types=[
        pltpu.VMEM((C,), jnp.int32),
        pltpu.VMEM((C,), jnp.int32),
        pltpu.VMEM((C, L), jnp.float32),
        pltpu.VMEM((C, L), jnp.float32),
        pltpu.VMEM((C, D), jnp.float32),
        pltpu.VMEM((C, L), jnp.float32),
        pltpu.VMEM_SHARED((SROWS, D), jnp.float32),
        pltpu.VMEM_SHARED((SROWS, L), jnp.float32),
    ],
)
def _sc_edge(z_hbm, as_hbm, ad_hbm, src_hbm, dst_hbm,
             agg_out, s_out,
             src_c, dst_c, asbuf, adbuf, zbuf, wext, agg_sh, s_sh):
    cid = lax.axis_index("c")
    sid = lax.axis_index("s")
    wid = cid * NS + sid

    zeros16 = jnp.zeros((L,), jnp.float32)

    def _zero_rows(i, _):
        wext[i, :] = zeros16
        for r in range(D // L):
            zbuf[i, pl.ds(r * L, L)] = zeros16
        return 0

    lax.fori_loop(0, C, _zero_rows, 0)

    base = sid * ROWS_PER_TILE
    for k in range(4):
        pltpu.sync_copy(zbuf.at[pl.ds(0, C)], agg_sh.at[pl.ds(base + k * C, C)])
        pltpu.sync_copy(wext.at[pl.ds(0, C)], s_sh.at[pl.ds(base + k * C, C)])
    rem = ROWS_PER_TILE - 4 * C
    pltpu.sync_copy(zbuf.at[pl.ds(0, rem)], agg_sh.at[pl.ds(base + 4 * C, rem)])
    pltpu.sync_copy(wext.at[pl.ds(0, rem)], s_sh.at[pl.ds(base + 4 * C, rem)])
    plsc.subcore_barrier()

    iota = lax.iota(jnp.int32, L)
    zero_idx = jnp.zeros((L,), jnp.int32)

    def _chunk(g, _):
        pltpu.sync_copy(src_hbm.at[wid, g], src_c)
        pltpu.sync_copy(dst_hbm.at[wid, g], dst_c)
        pltpu.sync_copy(z_hbm.at[src_c], zbuf)
        pltpu.sync_copy(as_hbm.at[src_c], asbuf)
        pltpu.sync_copy(ad_hbm.at[dst_c], adbuf)

        for i in range(C // L):
            ridx = i * L + iota
            x = (plsc.load_gather(asbuf, [ridx, zero_idx])
                 + plsc.load_gather(adbuf, [ridx, zero_idx]))
            w = jnp.exp(jnp.maximum(x, x * 0.01))
            plsc.store_scatter(wext, [ridx, zero_idx], w)

        def _scale(e, _):
            ws = wext[e, :][0]
            for r in range(D // L):
                zbuf[e, pl.ds(r * L, L)] = zbuf[e, pl.ds(r * L, L)] * ws
            return 0

        lax.fori_loop(0, C, _scale, 0)

        pltpu.sync_copy(zbuf, agg_sh.at[dst_c], add=True)
        pltpu.sync_copy(wext, s_sh.at[dst_c], add=True)
        return 0

    lax.fori_loop(0, NCHUNK, _chunk, 0)
    plsc.subcore_barrier()

    pltpu.sync_copy(agg_sh.at[pl.ds(sid * RPT_OUT, RPT_OUT)],
                    agg_out.at[cid, pl.ds(sid * RPT_OUT, RPT_OUT)])
    pltpu.sync_copy(s_sh.at[pl.ds(sid * RPT_OUT, RPT_OUT)],
                    s_out.at[cid, pl.ds(sid * RPT_OUT, RPT_OUT)])

    @pl.when(sid == NS - 1)
    def _tail():
        pltpu.sync_copy(agg_sh.at[pl.ds(NS * RPT_OUT, TAIL)],
                        agg_out.at[cid, pl.ds(NS * RPT_OUT, TAIL)])
        pltpu.sync_copy(s_sh.at[pl.ds(NS * RPT_OUT, TAIL)],
                        s_out.at[cid, pl.ds(NS * RPT_OUT, TAIL)])



def _tc2_body(h_ref, hs_ref, agg_ref, s_ref, out_ref):
    h = h_ref[...]
    agg = agg_ref[0] + agg_ref[1]
    s = s_ref[0, :, 0:1] + s_ref[1, :, 0:1]
    has_edge = s > 0
    inv = jnp.where(has_edge, 1.0 / s, 0.0)
    val = jnp.where(has_edge, hs_ref[...] + agg * inv, h)
    out_ref[...] = h + jnp.maximum(val, 0.0)


def _tc2(h, hs, agg2, s2):
    B = 2000
    return pl.pallas_call(
        _tc2_body,
        grid=(N // B,),
        in_specs=[
            pl.BlockSpec((B, D), lambda i: (i, 0)),
            pl.BlockSpec((B, D), lambda i: (i, 0)),
            pl.BlockSpec((NC, B, D), lambda i: (0, i, 0)),
            pl.BlockSpec((NC, B, L), lambda i: (0, i, 0)),
        ],
        out_specs=pl.BlockSpec((B, D), lambda i: (i, 0)),
        out_shape=jax.ShapeDtypeStruct((N, D), jnp.float32),
    )(h, hs, agg2, s2)



def kernel(h, edge_index, snorm_n, Ws, Wf, Wa):
    del snorm_n
    src = edge_index[0].astype(jnp.int32)
    dst = edge_index[1].astype(jnp.int32)
    pad_t = EPT_PAD - EPT
    dump = N + (jnp.arange(pad_t, dtype=jnp.int32) % L)
    src_p = jnp.concatenate(
        [src.reshape(NW, EPT), jnp.zeros((NW, pad_t), jnp.int32)],
        axis=1).reshape(NW, NCHUNK, C)
    dst_p = jnp.concatenate(
        [dst.reshape(NW, EPT), jnp.broadcast_to(dump, (NW, pad_t))],
        axis=1).reshape(NW, NCHUNK, C)

    wa32 = jnp.zeros((D, 2 * L), jnp.float32)
    wa32 = wa32.at[:, 0].set(Wa[0, :D]).at[:, L].set(Wa[0, D:])
    hs, z, aa = _tc1(h, Ws.T, Wf.T, wa32)
    as2 = aa[:, :L]
    ad2 = jnp.concatenate([aa[:, L:], jnp.zeros((L, L), jnp.float32)], axis=0)
    agg2, s2 = _sc_edge(z, as2, ad2, src_p, dst_p)
    return _tc2(h, hs, agg2, s2)

# --- scband reference (transcript-rebuilt; emitter-appended) ---
"""Pipeline reference for scband-my-gatlayer-23862838297009 (READ-ONLY COPY).

The authoritative reference and input builder live on the scoring server;
editing this copy changes nothing except your own understanding.
"""

import jax, jax.numpy as jnp
import numpy as np

N = 10000
E = 320000
D_IN = 128
D_OUT = 128

def setup_inputs(seed: int = 0) -> dict:
    key = jax.random.key(seed)
    k1, k2, k3, k4, k5, k6 = jax.random.split(key, 6)
    h = jax.random.normal(k1, (N, D_IN), dtype=jnp.float32)
    edge_index = jax.random.randint(k2, (2, E), 0, N, dtype=jnp.int64)
    snorm_n = jax.random.uniform(k3, (N, 1), dtype=jnp.float32)
    # learned parameters (kaiming-ish scaling)
    Ws = jax.random.normal(k4, (D_OUT, D_IN), dtype=jnp.float32) * np.sqrt(2.0 / D_IN)
    Wf = jax.random.normal(k5, (D_OUT, D_IN), dtype=jnp.float32) * np.sqrt(2.0 / D_IN)
    Wa = jax.random.normal(k6, (1, 2 * D_OUT), dtype=jnp.float32) * np.sqrt(2.0 / (2 * D_OUT))
    return {"h": h, "edge_index": edge_index, "snorm_n": snorm_n, "Ws": Ws, "Wf": Wf, "Wa": Wa}

def reference(h, edge_index, snorm_n, Ws, Wf, Wa):
    n = h.shape[0]
    h_in = h
    # feat_drop p=0.0 -> identity
    h_s = h @ Ws.T            # linear_self
    z = h @ Wf.T              # linear_func
    src = edge_index[0]
    dst = edge_index[1]
    # edge attention: leaky_relu(attn([z_src, z_dst]))  (att_ew=False)
    concat_z = jnp.concatenate([z[src], z[dst]], axis=-1)   # [E, 2*D_OUT]
    e = jax.nn.leaky_relu(concat_z @ Wa.T, negative_slope=0.01)  # [E, 1]
    # softmax over incoming edges per dst node (segment softmax)
    max_e = jax.ops.segment_max(e, dst, num_segments=n)
    exp_e = jnp.exp(e - max_e[dst])
    denom = jax.ops.segment_sum(exp_e, dst, num_segments=n)
    a = exp_e / denom[dst]    # attn_drop p=0.0 -> identity
    agg = jax.ops.segment_sum(a * z[src], dst, num_segments=n)  # [N, D_OUT]
    deg = jax.ops.segment_sum(jnp.ones((src.shape[0], 1), dtype=h.dtype), dst, num_segments=n)
    # zero in-degree nodes keep their original feature (DGL UDF reduce semantics)
    out = jnp.where(deg > 0, h_s + agg, h_in)
    out = jax.nn.relu(out)    # self.relu=True
    out = h_in + out          # res_connection=True
    return out

if False:  # reference __main__ guard neutralized (emitter)
    inp = setup_inputs()
    o = reference(**inp)
    print(o.shape, o.dtype)

if __name__ == "__main__":
    import jax
    _d = setup_inputs()
    print(jax.jit(kernel)(*tuple(_d.values())))

</pallas_src>

<mosaic_0001>
#map = affine_map<(d0, d1) -> (0, 0)>
#map1 = affine_map<(d0, d1) -> (0, 0, 0)>
module attributes {stable_mosaic.version = 14 : i64} {
  func.func @_sc_edge(%arg0: i32, %arg1: i32, %arg2: memref<10000x128xf32, #tpu.memory_space<hbm>>, %arg3: memref<10000x16xf32, #tpu.memory_space<hbm>>, %arg4: memref<10016x16xf32, #tpu.memory_space<hbm>>, %arg5: memref<32x79x128xi32, #tpu.memory_space<hbm>>, %arg6: memref<32x79x128xi32, #tpu.memory_space<hbm>>, %arg7: memref<2x10000x128xf32, #tpu.memory_space<hbm>>, %arg8: memref<2x10000x16xf32, #tpu.memory_space<hbm>>, %arg9: memref<128xi32, #tpu.memory_space<vmem>>, %arg10: memref<128xi32, #tpu.memory_space<vmem>>, %arg11: memref<128x16xf32, #tpu.memory_space<vmem>>, %arg12: memref<128x16xf32, #tpu.memory_space<vmem>>, %arg13: memref<128x128xf32, #tpu.memory_space<vmem>>, %arg14: memref<128x16xf32, #tpu.memory_space<vmem>>, %arg15: memref<10112x128xf32, #tpu.memory_space<vmem_shared>>, %arg16: memref<10112x16xf32, #tpu.memory_space<vmem_shared>>) attributes {dimension_semantics = [#tpu.dimension_semantics<core_parallel>, #tpu.dimension_semantics<subcore_parallel>], iteration_bounds = array<i64: 2, 16>, scalar_prefetch = 0 : i64, scratch_operands = 8 : i64, tpu.core_type = #tpu.core_type<sc_vector_subcore>, window_params = [{transform_indices = #map}, {transform_indices = #map}, {transform_indices = #map}, {transform_indices = #map1}, {transform_indices = #map1}, {transform_indices = #map1}, {transform_indices = #map1}]} {
    %mul3A = arith.constant 16 : i32
    %mul3A_0 = arith.muli %arg0, %mul3A : i32
    %add3A = arith.addi %mul3A_0, %arg1 : i32
    %broadcast_in_dim3A = arith.constant 0.000000e+00 : f32
    %broadcast_in_dim3A_1 = vector.broadcast %broadcast_in_dim3A : f32 to vector<16xf32>
    %scan3A = arith.constant 0 : i32
    %scan3A_2 = arith.constant 0 : i32
    %scan3A_3 = arith.constant 128 : i32
    %scan3A_4 = arith.addi %scan3A_2, %scan3A_3 : i32
    %scan3A_5 = arith.constant 1 : i32
    %scan3A_6 = scf.for %scan3A_50 = %scan3A_2 to %scan3A_4 step %scan3A_5 iter_args(%scan3A_51 = %scan3A) -> (i32)  : i32 {
      %swap3A = arith.index_cast %scan3A_50 : i32 to index
      %swap3A_52 = arith.constant 0 : index
      %swap3A_53 = tpu.vector_load %arg14[%swap3A, %swap3A_52] {strides = array<i32>} : memref<128x16xf32, #tpu.memory_space<vmem>>, vector<16xf32>,
      tpu.vector_store %arg14[%swap3A, %swap3A_52], %broadcast_in_dim3A_1 {strides = array<i32>} : memref<128x16xf32, #tpu.memory_space<vmem>>, vector<16xf32>,
      %swap3A_54 = arith.index_cast %scan3A_50 : i32 to index
      %swap3A_55 = arith.constant 0 : index
      %swap3A_56 = tpu.vector_load %arg13[%swap3A_54, %swap3A_55] {strides = array<i32>} : memref<128x128xf32, #tpu.memory_space<vmem>>, vector<16xf32>,
      tpu.vector_store %arg13[%swap3A_54, %swap3A_55], %broadcast_in_dim3A_1 {strides = array<i32>} : memref<128x128xf32, #tpu.memory_space<vmem>>, vector<16xf32>,
      %swap3A_57 = arith.index_cast %scan3A_50 : i32 to index
      %swap3A_58 = arith.constant 16 : index
      %swap3A_59 = tpu.vector_load %arg13[%swap3A_57, %swap3A_58] {strides = array<i32>} : memref<128x128xf32, #tpu.memory_space<vmem>>, vector<16xf32>,
      tpu.vector_store %arg13[%swap3A_57, %swap3A_58], %broadcast_in_dim3A_1 {strides = array<i32>} : memref<128x128xf32, #tpu.memory_space<vmem>>, vector<16xf32>,
      %swap3A_60 = arith.index_cast %scan3A_50 : i32 to index
      %swap3A_61 = arith.constant 32 : index
      %swap3A_62 = tpu.vector_load %arg13[%swap3A_60, %swap3A_61] {strides = array<i32>} : memref<128x128xf32, #tpu.memory_space<vmem>>, vector<16xf32>,
      tpu.vector_store %arg13[%swap3A_60, %swap3A_61], %broadcast_in_dim3A_1 {strides = array<i32>} : memref<128x128xf32, #tpu.memory_space<vmem>>, vector<16xf32>,
      %swap3A_63 = arith.index_cast %scan3A_50 : i32 to index
      %swap3A_64 = arith.constant 48 : index
      %swap3A_65 = tpu.vector_load %arg13[%swap3A_63, %swap3A_64] {strides = array<i32>} : memref<128x128xf32, #tpu.memory_space<vmem>>, vector<16xf32>,
      tpu.vector_store %arg13[%swap3A_63, %swap3A_64], %broadcast_in_dim3A_1 {strides = array<i32>} : memref<128x128xf32, #tpu.memory_space<vmem>>, vector<16xf32>,
      %swap3A_66 = arith.index_cast %scan3A_50 : i32 to index
      %swap3A_67 = arith.constant 64 : index
      %swap3A_68 = tpu.vector_load %arg13[%swap3A_66, %swap3A_67] {strides = array<i32>} : memref<128x128xf32, #tpu.memory_space<vmem>>, vector<16xf32>,
      tpu.vector_store %arg13[%swap3A_66, %swap3A_67], %broadcast_in_dim3A_1 {strides = array<i32>} : memref<128x128xf32, #tpu.memory_space<vmem>>, vector<16xf32>,
      %swap3A_69 = arith.index_cast %scan3A_50 : i32 to index
      %swap3A_70 = arith.constant 80 : index
      %swap3A_71 = tpu.vector_load %arg13[%swap3A_69, %swap3A_70] {strides = array<i32>} : memref<128x128xf32, #tpu.memory_space<vmem>>, vector<16xf32>,
      tpu.vector_store %arg13[%swap3A_69, %swap3A_70], %broadcast_in_dim3A_1 {strides = array<i32>} : memref<128x128xf32, #tpu.memory_space<vmem>>, vector<16xf32>,
      %swap3A_72 = arith.index_cast %scan3A_50 : i32 to index
      %swap3A_73 = arith.constant 96 : index
      %swap3A_74 = tpu.vector_load %arg13[%swap3A_72, %swap3A_73] {strides = array<i32>} : memref<128x128xf32, #tpu.memory_space<vmem>>, vector<16xf32>,
      tpu.vector_store %arg13[%swap3A_72, %swap3A_73], %broadcast_in_dim3A_1 {strides = array<i32>} : memref<128x128xf32, #tpu.memory_space<vmem>>, vector<16xf32>,
      %swap3A_75 = arith.index_cast %scan3A_50 : i32 to index
      %swap3A_76 = arith.constant 112 : index
      %swap3A_77 = tpu.vector_load %arg13[%swap3A_75, %swap3A_76] {strides = array<i32>} : memref<128x128xf32, #tpu.memory_space<vmem>>, vector<16xf32>,
      tpu.vector_store %arg13[%swap3A_75, %swap3A_76], %broadcast_in_dim3A_1 {strides = array<i32>} : memref<128x128xf32, #tpu.memory_space<vmem>>, vector<16xf32>,
      %scan3A_78 = arith.constant 0 : i32
      scf.yield %scan3A_78 : i32
    }
    %scan3A_7 = arith.constant 128 : i32
    %mul3A_8 = arith.constant 632 : i32
    %mul3A_9 = arith.muli %arg1, %mul3A_8 : i32
    %add3A_10 = arith.constant 0 : i32
    %add3A_11 = arith.addi %mul3A_9, %add3A_10 : i32
    "tpu.region"() ({
      %run_scoped3A = tpu.sem_alloc : memref<!tpu.dma_semaphore, #tpu.memory_space<semaphore_mem>>
      %dma_start3A = arith.constant 0 : i32
      %dma_start3A_50 = arith.constant 0 : i32
      %dma_start3A_51 = tpu.memref_slice %arg13[%dma_start3A, %dma_start3A_50] : memref<128x128xf32, #tpu.memory_space<vmem>> -> memref<128x128xf32, #tpu.memory_space<vmem>>
      %dma_start3A_52 = arith.constant 0 : i32
      %dma_start3A_53 = tpu.memref_slice %arg15[%add3A_11, %dma_start3A_52] : memref<10112x128xf32, #tpu.memory_space<vmem_shared>> -> memref<128x128xf32, #tpu.memory_space<vmem_shared>>
      %dma_start3A_54 = arith.constant 0 : i32
      %dma_start3A_55 = tpu.memref_slice %arg15[%add3A_11, %dma_start3A_54] : memref<10112x128xf32, #tpu.memory_space<vmem_shared>> -> memref<128x128xf32, #tpu.memory_space<vmem_shared>>
      %dma_start3A_56 = arith.constant 0 : i32
      %dma_start3A_57 = arith.constant 0 : i32
      %dma_start3A_58 = tpu.memref_slice %arg13[%dma_start3A_56, %dma_start3A_57] : memref<128x128xf32, #tpu.memory_space<vmem>> -> memref<128x128xf32, #tpu.memory_space<vmem>>
      tpu.enqueue_dma source(%dma_start3A_58 : memref<128x128xf32, #tpu.memory_space<vmem>>) target(%dma_start3A_55 : memref<128x128xf32, #tpu.memory_space<vmem_shared>>) target_semaphore(%run_scoped3A : memref<!tpu.dma_semaphore, #tpu.memory_space<semaphore_mem>>)
      %dma_wait3A = arith.constant 0 : i32
      %dma_wait3A_59 = arith.constant 0 : i32
      %dma_wait3A_60 = tpu.memref_slice %arg13[%dma_wait3A, %dma_wait3A_59] : memref<128x128xf32, #tpu.memory_space<vmem>> -> memref<128x128xf32, #tpu.memory_space<vmem>>
      %dma_wait3A_61 = arith.constant 0 : i32
      %dma_wait3A_62 = tpu.memref_slice %arg15[%add3A_11, %dma_wait3A_61] : memref<10112x128xf32, #tpu.memory_space<vmem_shared>> -> memref<128x128xf32, #tpu.memory_space<vmem_shared>>
      %dma_wait3A_63 = arith.constant 0 : i32
      %dma_wait3A_64 = tpu.memref_slice %arg15[%add3A_11, %dma_wait3A_63] : memref<10112x128xf32, #tpu.memory_space<vmem_shared>> -> memref<128x128xf32, #tpu.memory_space<vmem_shared>>
      %dma_wait3A_65 = arith.constant 0 : i32
      %dma_wait3A_66 = arith.constant 0 : i32
      %dma_wait3A_67 = tpu.memref_slice %arg13[%dma_wait3A_65, %dma_wait3A_66] : memref<128x128xf32, #tpu.memory_space<vmem>> -> memref<128x128xf32, #tpu.memory_space<vmem>>
      tpu.wait_dma2 semaphore(%run_scoped3A : memref<!tpu.dma_semaphore, #tpu.memory_space<semaphore_mem>>) src(%dma_wait3A_67 : memref<128x128xf32, #tpu.memory_space<vmem>>) dst(%dma_wait3A_64 : memref<128x128xf32, #tpu.memory_space<vmem_shared>>)
      tpu.yield
    }) : () -> ()
    %add3A_12 = arith.constant 0 : i32
    %add3A_13 = arith.addi %mul3A_9, %add3A_12 : i32
    "tpu.region"() ({
      %run_scoped3A = tpu.sem_alloc : memref<!tpu.dma_semaphore, #tpu.memory_space<semaphore_mem>>
      %dma_start3A = arith.constant 0 : i32
      %dma_start3A_50 = arith.constant 0 : i32
      %dma_start3A_51 = tpu.memref_slice %arg14[%dma_start3A, %dma_start3A_50] : memref<128x16xf32, #tpu.memory_space<vmem>> -> memref<128x16xf32, #tpu.memory_space<vmem>>
      %dma_start3A_52 = arith.constant 0 : i32
      %dma_start3A_53 = tpu.memref_slice %arg16[%add3A_13, %dma_start3A_52] : memref<10112x16xf32, #tpu.memory_space<vmem_shared>> -> memref<128x16xf32, #tpu.memory_space<vmem_shared>>
      %dma_start3A_54 = arith.constant 0 : i32
      %dma_start3A_55 = tpu.memref_slice %arg16[%add3A_13, %dma_start3A_54] : memref<10112x16xf32, #tpu.memory_space<vmem_shared>> -> memref<128x16xf32, #tpu.memory_space<vmem_shared>>
      %dma_start3A_56 = arith.constant 0 : i32
      %dma_start3A_57 = arith.constant 0 : i32
      %dma_start3A_58 = tpu.memref_slice %arg14[%dma_start3A_56, %dma_start3A_57] : memref<128x16xf32, #tpu.memory_space<vmem>> -> memref<128x16xf32, #tpu.memory_space<vmem>>
      tpu.enqueue_dma source(%dma_start3A_58 : memref<128x16xf32, #tpu.memory_space<vmem>>) target(%dma_start3A_55 : memref<128x16xf32, #tpu.memory_space<vmem_shared>>) target_semaphore(%run_scoped3A : memref<!tpu.dma_semaphore, #tpu.memory_space<semaphore_mem>>)
      %dma_wait3A = arith.constant 0 : i32
      %dma_wait3A_59 = arith.constant 0 : i32
      %dma_wait3A_60 = tpu.memref_slice %arg14[%dma_wait3A, %dma_wait3A_59] : memref<128x16xf32, #tpu.memory_space<vmem>> -> memref<128x16xf32, #tpu.memory_space<vmem>>
      %dma_wait3A_61 = arith.constant 0 : i32
      %dma_wait3A_62 = tpu.memref_slice %arg16[%add3A_13, %dma_wait3A_61] : memref<10112x16xf32, #tpu.memory_space<vmem_shared>> -> memref<128x16xf32, #tpu.memory_space<vmem_shared>>
      %dma_wait3A_63 = arith.constant 0 : i32
      %dma_wait3A_64 = tpu.memref_slice %arg16[%add3A_13, %dma_wait3A_63] : memref<10112x16xf32, #tpu.memory_space<vmem_shared>> -> memref<128x16xf32, #tpu.memory_space<vmem_shared>>
      %dma_wait3A_65 = arith.constant 0 : i32
      %dma_wait3A_66 = arith.constant 0 : i32
      %dma_wait3A_67 = tpu.memref_slice %arg14[%dma_wait3A_65, %dma_wait3A_66] : memref<128x16xf32, #tpu.memory_space<vmem>> -> memref<128x16xf32, #tpu.memory_space<vmem>>
      tpu.wait_dma2 semaphore(%run_scoped3A : memref<!tpu.dma_semaphore, #tpu.memory_space<semaphore_mem>>) src(%dma_wait3A_67 : memref<128x16xf32, #tpu.memory_space<vmem>>) dst(%dma_wait3A_64 : memref<128x16xf32, #tpu.memory_space<vmem_shared>>)
      tpu.yield
    }) : () -> ()
    %add3A_14 = arith.constant 128 : i32
    %add3A_15 = arith.addi %mul3A_9, %add3A_14 : i32
    "tpu.region"() ({
      %run_scoped3A = tpu.sem_alloc : memref<!tpu.dma_semaphore, #tpu.memory_space<semaphore_mem>>
      %dma_start3A = arith.constant 0 : i32
      %dma_start3A_50 = arith.constant 0 : i32
      %dma_start3A_51 = tpu.memref_slice %arg13[%dma_start3A, %dma_start3A_50] : memref<128x128xf32, #tpu.memory_space<vmem>> -> memref<128x128xf32, #tpu.memory_space<vmem>>
      %dma_start3A_52 = arith.constant 0 : i32
      %dma_start3A_53 = tpu.memref_slice %arg15[%add3A_15, %dma_start3A_52] : memref<10112x128xf32, #tpu.memory_space<vmem_shared>> -> memref<128x128xf32, #tpu.memory_space<vmem_shared>>
      %dma_start3A_54 = arith.constant 0 : i32
      %dma_start3A_55 = tpu.memref_slice %arg15[%add3A_15, %dma_start3A_54] : memref<10112x128xf32, #tpu.memory_space<vmem_shared>> -> memref<128x128xf32, #tpu.memory_space<vmem_shared>>
      %dma_start3A_56 = arith.constant 0 : i32
      %dma_start3A_57 = arith.constant 0 : i32
      %dma_start3A_58 = tpu.memref_slice %arg13[%dma_start3A_56, %dma_start3A_57] : memref<128x128xf32, #tpu.memory_space<vmem>> -> memref<128x128xf32, #tpu.memory_space<vmem>>
      tpu.enqueue_dma source(%dma_start3A_58 : memref<128x128xf32, #tpu.memory_space<vmem>>) target(%dma_start3A_55 : memref<128x128xf32, #tpu.memory_space<vmem_shared>>) target_semaphore(%run_scoped3A : memref<!tpu.dma_semaphore, #tpu.memory_space<semaphore_mem>>)
      %dma_wait3A = arith.constant 0 : i32
      %dma_wait3A_59 = arith.constant 0 : i32
      %dma_wait3A_60 = tpu.memref_slice %arg13[%dma_wait3A, %dma_wait3A_59] : memref<128x128xf32, #tpu.memory_space<vmem>> -> memref<128x128xf32, #tpu.memory_space<vmem>>
      %dma_wait3A_61 = arith.constant 0 : i32
      %dma_wait3A_62 = tpu.memref_slice %arg15[%add3A_15, %dma_wait3A_61] : memref<10112x128xf32, #tpu.memory_space<vmem_shared>> -> memref<128x128xf32, #tpu.memory_space<vmem_shared>>
      %dma_wait3A_63 = arith.constant 0 : i32
      %dma_wait3A_64 = tpu.memref_slice %arg15[%add3A_15, %dma_wait3A_63] : memref<10112x128xf32, #tpu.memory_space<vmem_shared>> -> memref<128x128xf32, #tpu.memory_space<vmem_shared>>
      %dma_wait3A_65 = arith.constant 0 : i32
      %dma_wait3A_66 = arith.constant 0 : i32
      %dma_wait3A_67 = tpu.memref_slice %arg13[%dma_wait3A_65, %dma_wait3A_66] : memref<128x128xf32, #tpu.memory_space<vmem>> -> memref<128x128xf32, #tpu.memory_space<vmem>>
      tpu.wait_dma2 semaphore(%run_scoped3A : memref<!tpu.dma_semaphore, #tpu.memory_space<semaphore_mem>>) src(%dma_wait3A_67 : memref<128x128xf32, #tpu.memory_space<vmem>>) dst(%dma_wait3A_64 : memref<128x128xf32, #tpu.memory_space<vmem_shared>>)
      tpu.yield
    }) : () -> ()
    %add3A_16 = arith.constant 128 : i32
    %add3A_17 = arith.addi %mul3A_9, %add3A_16 : i32
    "tpu.region"() ({
      %run_scoped3A = tpu.sem_alloc : memref<!tpu.dma_semaphore, #tpu.memory_space<semaphore_mem>>
      %dma_start3A = arith.constant 0 : i32
      %dma_start3A_50 = arith.constant 0 : i32
      %dma_start3A_51 = tpu.memref_slice %arg14[%dma_start3A, %dma_start3A_50] : memref<128x16xf32, #tpu.memory_space<vmem>> -> memref<128x16xf32, #tpu.memory_space<vmem>>
      %dma_start3A_52 = arith.constant 0 : i32
      %dma_start3A_53 = tpu.memref_slice %arg16[%add3A_17, %dma_start3A_52] : memref<10112x16xf32, #tpu.memory_space<vmem_shared>> -> memref<128x16xf32, #tpu.memory_space<vmem_shared>>
      %dma_start3A_54 = arith.constant 0 : i32
      %dma_start3A_55 = tpu.memref_slice %arg16[%add3A_17, %dma_start3A_54] : memref<10112x16xf32, #tpu.memory_space<vmem_shared>> -> memref<128x16xf32, #tpu.memory_space<vmem_shared>>
      %dma_start3A_56 = arith.constant 0 : i32
      %dma_start3A_57 = arith.constant 0 : i32
      %dma_start3A_58 = tpu.memref_slice %arg14[%dma_start3A_56, %dma_start3A_57] : memref<128x16xf32, #tpu.memory_space<vmem>> -> memref<128x16xf32, #tpu.memory_space<vmem>>
      tpu.enqueue_dma source(%dma_start3A_58 : memref<128x16xf32, #tpu.memory_space<vmem>>) target(%dma_start3A_55 : memref<128x16xf32, #tpu.memory_space<vmem_shared>>) target_semaphore(%run_scoped3A : memref<!tpu.dma_semaphore, #tpu.memory_space<semaphore_mem>>)
      %dma_wait3A = arith.constant 0 : i32
      %dma_wait3A_59 = arith.constant 0 : i32
      %dma_wait3A_60 = tpu.memref_slice %arg14[%dma_wait3A, %dma_wait3A_59] : memref<128x16xf32, #tpu.memory_space<vmem>> -> memref<128x16xf32, #tpu.memory_space<vmem>>
      %dma_wait3A_61 = arith.constant 0 : i32
      %dma_wait3A_62 = tpu.memref_slice %arg16[%add3A_17, %dma_wait3A_61] : memref<10112x16xf32, #tpu.memory_space<vmem_shared>> -> memref<128x16xf32, #tpu.memory_space<vmem_shared>>
      %dma_wait3A_63 = arith.constant 0 : i32
      %dma_wait3A_64 = tpu.memref_slice %arg16[%add3A_17, %dma_wait3A_63] : memref<10112x16xf32, #tpu.memory_space<vmem_shared>> -> memref<128x16xf32, #tpu.memory_space<vmem_shared>>
      %dma_wait3A_65 = arith.constant 0 : i32
      %dma_wait3A_66 = arith.constant 0 : i32
      %dma_wait3A_67 = tpu.memref_slice %arg14[%dma_wait3A_65, %dma_wait3A_66] : memref<128x16xf32, #tpu.memory_space<vmem>> -> memref<128x16xf32, #tpu.memory_space<vmem>>
      tpu.wait_dma2 semaphore(%run_scoped3A : memref<!tpu.dma_semaphore, #tpu.memory_space<semaphore_mem>>) src(%dma_wait3A_67 : memref<128x16xf32, #tpu.memory_space<vmem>>) dst(%dma_wait3A_64 : memref<128x16xf32, #tpu.memory_space<vmem_shared>>)
      tpu.yield
    }) : () -> ()
    %add3A_18 = arith.constant 256 : i32
    %add3A_19 = arith.addi %mul3A_9, %add3A_18 : i32
    "tpu.region"() ({
      %run_scoped3A = tpu.sem_alloc : memref<!tpu.dma_semaphore, #tpu.memory_space<semaphore_mem>>
      %dma_start3A = arith.constant 0 : i32
      %dma_start3A_50 = arith.constant 0 : i32
      %dma_start3A_51 = tpu.memref_slice %arg13[%dma_start3A, %dma_start3A_50] : memref<128x128xf32, #tpu.memory_space<vmem>> -> memref<128x128xf32, #tpu.memory_space<vmem>>
      %dma_start3A_52 = arith.constant 0 : i32
      %dma_start3A_53 = tpu.memref_slice %arg15[%add3A_19, %dma_start3A_52] : memref<10112x128xf32, #tpu.memory_space<vmem_shared>> -> memref<128x128xf32, #tpu.memory_space<vmem_shared>>
      %dma_start3A_54 = arith.constant 0 : i32
      %dma_start3A_55 = tpu.memref_slice %arg15[%add3A_19, %dma_start3A_54] : memref<10112x128xf32, #tpu.memory_space<vmem_shared>> -> memref<128x128xf32, #tpu.memory_space<vmem_shared>>
      %dma_start3A_56 = arith.constant 0 : i32
      %dma_start3A_57 = arith.constant 0 : i32
      %dma_start3A_58 = tpu.memref_slice %arg13[%dma_start3A_56, %dma_start3A_57] : memref<128x128xf32, #tpu.memory_space<vmem>> -> memref<128x128xf32, #tpu.memory_space<vmem>>
      tpu.enqueue_dma source(%dma_start3A_58 : memref<128x128xf32, #tpu.memory_space<vmem>>) target(%dma_start3A_55 : memref<128x128xf32, #tpu.memory_space<vmem_shared>>) target_semaphore(%run_scoped3A : memref<!tpu.dma_semaphore, #tpu.memory_space<semaphore_mem>>)
      %dma_wait3A = arith.constant 0 : i32
      %dma_wait3A_59 = arith.constant 0 : i32
      %dma_wait3A_60 = tpu.memref_slice %arg13[%dma_wait3A, %dma_wait3A_59] : memref<128x128xf32, #tpu.memory_space<vmem>> -> memref<128x128xf32, #tpu.memory_space<vmem>>
      %dma_wait3A_61 = arith.constant 0 : i32
      %dma_wait3A_62 = tpu.memref_slice %arg15[%add3A_19, %dma_wait3A_61] : memref<10112x128xf32, #tpu.memory_space<vmem_shared>> -> memref<128x128xf32, #tpu.memory_space<vmem_shared>>
      %dma_wait3A_63 = arith.constant 0 : i32
      %dma_wait3A_64 = tpu.memref_slice %arg15[%add3A_19, %dma_wait3A_63] : memref<10112x128xf32, #tpu.memory_space<vmem_shared>> -> memref<128x128xf32, #tpu.memory_space<vmem_shared>>
      %dma_wait3A_65 = arith.constant 0 : i32
      %dma_wait3A_66 = arith.constant 0 : i32
      %dma_wait3A_67 = tpu.memref_slice %arg13[%dma_wait3A_65, %dma_wait3A_66] : memref<128x128xf32, #tpu.memory_space<vmem>> -> memref<128x128xf32, #tpu.memory_space<vmem>>
      tpu.wait_dma2 semaphore(%run_scoped3A : memref<!tpu.dma_semaphore, #tpu.memory_space<semaphore_mem>>) src(%dma_wait3A_67 : memref<128x128xf32, #tpu.memory_space<vmem>>) dst(%dma_wait3A_64 : memref<128x128xf32, #tpu.memory_space<vmem_shared>>)
      tpu.yield
    }) : () -> ()
    %add3A_20 = arith.constant 256 : i32
    %add3A_21 = arith.addi %mul3A_9, %add3A_20 : i32
    "tpu.region"() ({
      %run_scoped3A = tpu.sem_alloc : memref<!tpu.dma_semaphore, #tpu.memory_space<semaphore_mem>>
      %dma_start3A = arith.constant 0 : i32
      %dma_start3A_50 = arith.constant 0 : i32
      %dma_start3A_51 = tpu.memref_slice %arg14[%dma_start3A, %dma_start3A_50] : memref<128x16xf32, #tpu.memory_space<vmem>> -> memref<128x16xf32, #tpu.memory_space<vmem>>
      %dma_start3A_52 = arith.constant 0 : i32
      %dma_start3A_53 = tpu.memref_slice %arg16[%add3A_21, %dma_start3A_52] : memref<10112x16xf32, #tpu.memory_space<vmem_shared>> -> memref<128x16xf32, #tpu.memory_space<vmem_shared>>
      %dma_start3A_54 = arith.constant 0 : i32
      %dma_start3A_55 = tpu.memref_slice %arg16[%add3A_21, %dma_start3A_54] : memref<10112x16xf32, #tpu.memory_space<vmem_shared>> -> memref<128x16xf32, #tpu.memory_space<vmem_shared>>
      %dma_start3A_56 = arith.constant 0 : i32
      %dma_start3A_57 = arith.constant 0 : i32
      %dma_start3A_58 = tpu.memref_slice %arg14[%dma_start3A_56, %dma_start3A_57] : memref<128x16xf32, #tpu.memory_space<vmem>> -> memref<128x16xf32, #tpu.memory_space<vmem>>
      tpu.enqueue_dma source(%dma_start3A_58 : memref<128x16xf32, #tpu.memory_space<vmem>>) target(%dma_start3A_55 : memref<128x16xf32, #tpu.memory_space<vmem_shared>>) target_semaphore(%run_scoped3A : memref<!tpu.dma_semaphore, #tpu.memory_space<semaphore_mem>>)
      %dma_wait3A = arith.constant 0 : i32
      %dma_wait3A_59 = arith.constant 0 : i32
      %dma_wait3A_60 = tpu.memref_slice %arg14[%dma_wait3A, %dma_wait3A_59] : memref<128x16xf32, #tpu.memory_space<vmem>> -> memref<128x16xf32, #tpu.memory_space<vmem>>
      %dma_wait3A_61 = arith.constant 0 : i32
      %dma_wait3A_62 = tpu.memref_slice %arg16[%add3A_21, %dma_wait3A_61] : memref<10112x16xf32, #tpu.memory_space<vmem_shared>> -> memref<128x16xf32, #tpu.memory_space<vmem_shared>>
      %dma_wait3A_63 = arith.constant 0 : i32
      %dma_wait3A_64 = tpu.memref_slice %arg16[%add3A_21, %dma_wait3A_63] : memref<10112x16xf32, #tpu.memory_space<vmem_shared>> -> memref<128x16xf32, #tpu.memory_space<vmem_shared>>
      %dma_wait3A_65 = arith.constant 0 : i32
      %dma_wait3A_66 = arith.constant 0 : i32
      %dma_wait3A_67 = tpu.memref_slice %arg14[%dma_wait3A_65, %dma_wait3A_66] : memref<128x16xf32, #tpu.memory_space<vmem>> -> memref<128x16xf32, #tpu.memory_space<vmem>>
      tpu.wait_dma2 semaphore(%run_scoped3A : memref<!tpu.dma_semaphore, #tpu.memory_space<semaphore_mem>>) src(%dma_wait3A_67 : memref<128x16xf32, #tpu.memory_space<vmem>>) dst(%dma_wait3A_64 : memref<128x16xf32, #tpu.memory_space<vmem_shared>>)
      tpu.yield
    }) : () -> ()
    %add3A_22 = arith.constant 384 : i32
    %add3A_23 = arith.addi %mul3A_9, %add3A_22 : i32
    "tpu.region"() ({
      %run_scoped3A = tpu.sem_alloc : memref<!tpu.dma_semaphore, #tpu.memory_space<semaphore_mem>>
      %dma_start3A = arith.constant 0 : i32
      %dma_start3A_50 = arith.constant 0 : i32
      %dma_start3A_51 = tpu.memref_slice %arg13[%dma_start3A, %dma_start3A_50] : memref<128x128xf32, #tpu.memory_space<vmem>> -> memref<128x128xf32, #tpu.memory_space<vmem>>
      %dma_start3A_52 = arith.constant 0 : i32
      %dma_start3A_53 = tpu.memref_slice %arg15[%add3A_23, %dma_start3A_52] : memref<10112x128xf32, #tpu.memory_space<vmem_shared>> -> memref<128x128xf32, #tpu.memory_space<vmem_shared>>
      %dma_start3A_54 = arith.constant 0 : i32
      %dma_start3A_55 = tpu.memref_slice %arg15[%add3A_23, %dma_start3A_54] : memref<10112x128xf32, #tpu.memory_space<vmem_shared>> -> memref<128x128xf32, #tpu.memory_space<vmem_shared>>
      %dma_start3A_56 = arith.constant 0 : i32
      %dma_start3A_57 = arith.constant 0 : i32
      %dma_start3A_58 = tpu.memref_slice %arg13[%dma_start3A_56, %dma_start3A_57] : memref<128x128xf32, #tpu.memory_space<vmem>> -> memref<128x128xf32, #tpu.memory_space<vmem>>
      tpu.enqueue_dma source(%dma_start3A_58 : memref<128x128xf32, #tpu.memory_space<vmem>>) target(%dma_start3A_55 : memref<128x128xf32, #tpu.memory_space<vmem_shared>>) target_semaphore(%run_scoped3A : memref<!tpu.dma_semaphore, #tpu.memory_space<semaphore_mem>>)
      %dma_wait3A = arith.constant 0 : i32
      %dma_wait3A_59 = arith.constant 0 : i32
      %dma_wait3A_60 = tpu.memref_slice %arg13[%dma_wait3A, %dma_wait3A_59] : memref<128x128xf32, #tpu.memory_space<vmem>> -> memref<128x128xf32, #tpu.memory_space<vmem>>
      %dma_wait3A_61 = arith.constant 0 : i32
      %dma_wait3A_62 = tpu.memref_slice %arg15[%add3A_23, %dma_wait3A_61] : memref<10112x128xf32, #tpu.memory_space<vmem_shared>> -> memref<128x128xf32, #tpu.memory_space<vmem_shared>>
      %dma_wait3A_63 = arith.constant 0 : i32
      %dma_wait3A_64 = tpu.memref_slice %arg15[%add3A_23, %dma_wait3A_63] : memref<10112x128xf32, #tpu.memory_space<vmem_shared>> -> memref<128x128xf32, #tpu.memory_space<vmem_shared>>
      %dma_wait3A_65 = arith.constant 0 : i32
      %dma_wait3A_66 = arith.constant 0 : i32
      %dma_wait3A_67 = tpu.memref_slice %arg13[%dma_wait3A_65, %dma_wait3A_66] : memref<128x128xf32, #tpu.memory_space<vmem>> -> memref<128x128xf32, #tpu.memory_space<vmem>>
      tpu.wait_dma2 semaphore(%run_scoped3A : memref<!tpu.dma_semaphore, #tpu.memory_space<semaphore_mem>>) src(%dma_wait3A_67 : memref<128x128xf32, #tpu.memory_space<vmem>>) dst(%dma_wait3A_64 : memref<128x128xf32, #tpu.memory_space<vmem_shared>>)
      tpu.yield
    }) : () -> ()
    %add3A_24 = arith.constant 384 : i32
    %add3A_25 = arith.addi %mul3A_9, %add3A_24 : i32
    "tpu.region"() ({
      %run_scoped3A = tpu.sem_alloc : memref<!tpu.dma_semaphore, #tpu.memory_space<semaphore_mem>>
      %dma_start3A = arith.constant 0 : i32
      %dma_start3A_50 = arith.constant 0 : i32
      %dma_start3A_51 = tpu.memref_slice %arg14[%dma_start3A, %dma_start3A_50] : memref<128x16xf32, #tpu.memory_space<vmem>> -> memref<128x16xf32, #tpu.memory_space<vmem>>
      %dma_start3A_52 = arith.constant 0 : i32
      %dma_start3A_53 = tpu.memref_slice %arg16[%add3A_25, %dma_start3A_52] : memref<10112x16xf32, #tpu.memory_space<vmem_shared>> -> memref<128x16xf32, #tpu.memory_space<vmem_shared>>
      %dma_start3A_54 = arith.constant 0 : i32
      %dma_start3A_55 = tpu.memref_slice %arg16[%add3A_25, %dma_start3A_54] : memref<10112x16xf32, #tpu.memory_space<vmem_shared>> -> memref<128x16xf32, #tpu.memory_space<vmem_shared>>
      %dma_start3A_56 = arith.constant 0 : i32
      %dma_start3A_57 = arith.constant 0 : i32
      %dma_start3A_58 = tpu.memref_slice %arg14[%dma_start3A_56, %dma_start3A_57] : memref<128x16xf32, #tpu.memory_space<vmem>> -> memref<128x16xf32, #tpu.memory_space<vmem>>
      tpu.enqueue_dma source(%dma_start3A_58 : memref<128x16xf32, #tpu.memory_space<vmem>>) target(%dma_start3A_55 : memref<128x16xf32, #tpu.memory_space<vmem_shared>>) target_semaphore(%run_scoped3A : memref<!tpu.dma_semaphore, #tpu.memory_space<semaphore_mem>>)
      %dma_wait3A = arith.constant 0 : i32
      %dma_wait3A_59 = arith.constant 0 : i32
      %dma_wait3A_60 = tpu.memref_slice %arg14[%dma_wait3A, %dma_wait3A_59] : memref<128x16xf32, #tpu.memory_space<vmem>> -> memref<128x16xf32, #tpu.memory_space<vmem>>
      %dma_wait3A_61 = arith.constant 0 : i32
      %dma_wait3A_62 = tpu.memref_slice %arg16[%add3A_25, %dma_wait3A_61] : memref<10112x16xf32, #tpu.memory_space<vmem_shared>> -> memref<128x16xf32, #tpu.memory_space<vmem_shared>>
      %dma_wait3A_63 = arith.constant 0 : i32
      %dma_wait3A_64 = tpu.memref_slice %arg16[%add3A_25, %dma_wait3A_63] : memref<10112x16xf32, #tpu.memory_space<vmem_shared>> -> memref<128x16xf32, #tpu.memory_space<vmem_shared>>
      %dma_wait3A_65 = arith.constant 0 : i32
      %dma_wait3A_66 = arith.constant 0 : i32
      %dma_wait3A_67 = tpu.memref_slice %arg14[%dma_wait3A_65, %dma_wait3A_66] : memref<128x16xf32, #tpu.memory_space<vmem>> -> memref<128x16xf32, #tpu.memory_space<vmem>>
      tpu.wait_dma2 semaphore(%run_scoped3A : memref<!tpu.dma_semaphore, #tpu.memory_space<semaphore_mem>>) src(%dma_wait3A_67 : memref<128x16xf32, #tpu.memory_space<vmem>>) dst(%dma_wait3A_64 : memref<128x16xf32, #tpu.memory_space<vmem_shared>>)
      tpu.yield
    }) : () -> ()
    %add3A_26 = arith.constant 512 : i32
    %add3A_27 = arith.addi %mul3A_9, %add3A_26 : i32
    "tpu.region"() ({
      %run_scoped3A = tpu.sem_alloc : memref<!tpu.dma_semaphore, #tpu.memory_space<semaphore_mem>>
      %dma_start3A = arith.constant 0 : i32
      %dma_start3A_50 = arith.constant 0 : i32
      %dma_start3A_51 = tpu.memref_slice %arg13[%dma_start3A, %dma_start3A_50] : memref<128x128xf32, #tpu.memory_space<vmem>> -> memref<120x128xf32, #tpu.memory_space<vmem>>
      %dma_start3A_52 = arith.constant 0 : i32
      %dma_start3A_53 = tpu.memref_slice %arg15[%add3A_27, %dma_start3A_52] : memref<10112x128xf32, #tpu.memory_space<vmem_shared>> -> memref<120x128xf32, #tpu.memory_space<vmem_shared>>
      %dma_start3A_54 = arith.constant 0 : i32
      %dma_start3A_55 = tpu.memref_slice %arg15[%add3A_27, %dma_start3A_54] : memref<10112x128xf32, #tpu.memory_space<vmem_shared>> -> memref<120x128xf32, #tpu.memory_space<vmem_shared>>
      %dma_start3A_56 = arith.constant 0 : i32
      %dma_start3A_57 = arith.constant 0 : i32
      %dma_start3A_58 = tpu.memref_slice %arg13[%dma_start3A_56, %dma_start3A_57] : memref<128x128xf32, #tpu.memory_space<vmem>> -> memref<120x128xf32, #tpu.memory_space<vmem>>
      tpu.enqueue_dma source(%dma_start3A_58 : memref<120x128xf32, #tpu.memory_space<vmem>>) target(%dma_start3A_55 : memref<120x128xf32, #tpu.memory_space<vmem_shared>>) target_semaphore(%run_scoped3A : memref<!tpu.dma_semaphore, #tpu.memory_space<semaphore_mem>>)
      %dma_wait3A = arith.constant 0 : i32
      %dma_wait3A_59 = arith.constant 0 : i32
      %dma_wait3A_60 = tpu.memref_slice %arg13[%dma_wait3A, %dma_wait3A_59] : memref<128x128xf32, #tpu.memory_space<vmem>> -> memref<120x128xf32, #tpu.memory_space<vmem>>
      %dma_wait3A_61 = arith.constant 0 : i32
      %dma_wait3A_62 = tpu.memref_slice %arg15[%add3A_27, %dma_wait3A_61] : memref<10112x128xf32, #tpu.memory_space<vmem_shared>> -> memref<120x128xf32, #tpu.memory_space<vmem_shared>>
      %dma_wait3A_63 = arith.constant 0 : i32
      %dma_wait3A_64 = tpu.memref_slice %arg15[%add3A_27, %dma_wait3A_63] : memref<10112x128xf32, #tpu.memory_space<vmem_shared>> -> memref<120x128xf32, #tpu.memory_space<vmem_shared>>
      %dma_wait3A_65 = arith.constant 0 : i32
      %dma_wait3A_66 = arith.constant 0 : i32
      %dma_wait3A_67 = tpu.memref_slice %arg13[%dma_wait3A_65, %dma_wait3A_66] : memref<128x128xf32, #tpu.memory_space<vmem>> -> memref<120x128xf32, #tpu.memory_space<vmem>>
      tpu.wait_dma2 semaphore(%run_scoped3A : memref<!tpu.dma_semaphore, #tpu.memory_space<semaphore_mem>>) src(%dma_wait3A_67 : memref<120x128xf32, #tpu.memory_space<vmem>>) dst(%dma_wait3A_64 : memref<120x128xf32, #tpu.memory_space<vmem_shared>>)
      tpu.yield
    }) : () -> ()
    %add3A_28 = arith.constant 512 : i32
    %add3A_29 = arith.addi %mul3A_9, %add3A_28 : i32
    "tpu.region"() ({
      %run_scoped3A = tpu.sem_alloc : memref<!tpu.dma_semaphore, #tpu.memory_space<semaphore_mem>>
      %dma_start3A = arith.constant 0 : i32
      %dma_start3A_50 = arith.constant 0 : i32
      %dma_start3A_51 = tpu.memref_slice %arg14[%dma_start3A, %dma_start3A_50] : memref<128x16xf32, #tpu.memory_space<vmem>> -> memref<120x16xf32, #tpu.memory_space<vmem>>
      %dma_start3A_52 = arith.constant 0 : i32
      %dma_start3A_53 = tpu.memref_slice %arg16[%add3A_29, %dma_start3A_52] : memref<10112x16xf32, #tpu.memory_space<vmem_shared>> -> memref<120x16xf32, #tpu.memory_space<vmem_shared>>
      %dma_start3A_54 = arith.constant 0 : i32
      %dma_start3A_55 = tpu.memref_slice %arg16[%add3A_29, %dma_start3A_54] : memref<10112x16xf32, #tpu.memory_space<vmem_shared>> -> memref<120x16xf32, #tpu.memory_space<vmem_shared>>
      %dma_start3A_56 = arith.constant 0 : i32
      %dma_start3A_57 = arith.constant 0 : i32
      %dma_start3A_58 = tpu.memref_slice %arg14[%dma_start3A_56, %dma_start3A_57] : memref<128x16xf32, #tpu.memory_space<vmem>> -> memref<120x16xf32, #tpu.memory_space<vmem>>
      tpu.enqueue_dma source(%dma_start3A_58 : memref<120x16xf32, #tpu.memory_space<vmem>>) target(%dma_start3A_55 : memref<120x16xf32, #tpu.memory_space<vmem_shared>>) target_semaphore(%run_scoped3A : memref<!tpu.dma_semaphore, #tpu.memory_space<semaphore_mem>>)
      %dma_wait3A = arith.constant 0 : i32
      %dma_wait3A_59 = arith.constant 0 : i32
      %dma_wait3A_60 = tpu.memref_slice %arg14[%dma_wait3A, %dma_wait3A_59] : memref<128x16xf32, #tpu.memory_space<vmem>> -> memref<120x16xf32, #tpu.memory_space<vmem>>
      %dma_wait3A_61 = arith.constant 0 : i32
      %dma_wait3A_62 = tpu.memref_slice %arg16[%add3A_29, %dma_wait3A_61] : memref<10112x16xf32, #tpu.memory_space<vmem_shared>> -> memref<120x16xf32, #tpu.memory_space<vmem_shared>>
      %dma_wait3A_63 = arith.constant 0 : i32
      %dma_wait3A_64 = tpu.memref_slice %arg16[%add3A_29, %dma_wait3A_63] : memref<10112x16xf32, #tpu.memory_space<vmem_shared>> -> memref<120x16xf32, #tpu.memory_space<vmem_shared>>
      %dma_wait3A_65 = arith.constant 0 : i32
      %dma_wait3A_66 = arith.constant 0 : i32
      %dma_wait3A_67 = tpu.memref_slice %arg14[%dma_wait3A_65, %dma_wait3A_66] : memref<128x16xf32, #tpu.memory_space<vmem>> -> memref<120x16xf32, #tpu.memory_space<vmem>>
      tpu.wait_dma2 semaphore(%run_scoped3A : memref<!tpu.dma_semaphore, #tpu.memory_space<semaphore_mem>>) src(%dma_wait3A_67 : memref<120x16xf32, #tpu.memory_space<vmem>>) dst(%dma_wait3A_64 : memref<120x16xf32, #tpu.memory_space<vmem_shared>>)
      tpu.yield
    }) : () -> ()
    %barrier3A = arith.constant 0 : index
    tpu.barrier barrier_id(%barrier3A)
    %iota3A = tpu.iota {dimensions = array<i32: 0>} : vector<16xi32>
    %broadcast_in_dim3A_30 = arith.constant 0 : i32
    %broadcast_in_dim3A_31 = vector.broadcast %broadcast_in_dim3A_30 : i32 to vector<16xi32>
    %scan3A_32 = arith.constant 0 : i32
    %scan3A_33 = arith.constant 0 : i32
    %scan3A_34 = arith.constant 79 : i32
    %scan3A_35 = arith.addi %scan3A_33, %scan3A_34 : i32
    %scan3A_36 = arith.constant 1 : i32
    %scan3A_37 = scf.for %scan3A_50 = %scan3A_33 to %scan3A_35 step %scan3A_36 iter_args(%scan3A_51 = %scan3A_32) -> (i32)  : i32 {
      "tpu.region"() ({
        %run_scoped3A = tpu.sem_alloc : memref<!tpu.dma_semaphore, #tpu.memory_space<semaphore_mem>>
        %dma_start3A = arith.constant 0 : i32
        %dma_start3A_145 = tpu.memref_slice %arg5[%add3A, %scan3A_50, %dma_start3A] : memref<32x79x128xi32, #tpu.memory_space<hbm>> -> memref<1x1x128xi32, #tpu.memory_space<hbm>>
        %dma_start3A_146 = tpu.memref_squeeze %dma_start3A_145 : memref<1x1x128xi32, #tpu.memory_space<hbm>> -> memref<128xi32, #tpu.memory_space<hbm>>
        %dma_start3A_147 = arith.constant 0 : i32
        %dma_start3A_148 = tpu.memref_slice %arg5[%add3A, %scan3A_50, %dma_start3A_147] : memref<32x79x128xi32, #tpu.memory_space<hbm>> -> memref<1x1x128xi32, #tpu.memory_space<hbm>>
        %dma_start3A_149 = tpu.memref_squeeze %dma_start3A_148 : memref<1x1x128xi32, #tpu.memory_space<hbm>> -> memref<128xi32, #tpu.memory_space<hbm>>
        tpu.enqueue_dma source(%dma_start3A_149 : memref<128xi32, #tpu.memory_space<hbm>>) target(%arg9 : memref<128xi32, #tpu.memory_space<vmem>>) target_semaphore(%run_scoped3A : memref<!tpu.dma_semaphore, #tpu.memory_space<semaphore_mem>>)
        %dma_wait3A = arith.constant 0 : i32
        %dma_wait3A_150 = tpu.memref_slice %arg5[%add3A, %scan3A_50, %dma_wait3A] : memref<32x79x128xi32, #tpu.memory_space<hbm>> -> memref<1x1x128xi32, #tpu.memory_space<hbm>>
        %dma_wait3A_151 = tpu.memref_squeeze %dma_wait3A_150 : memref<1x1x128xi32, #tpu.memory_space<hbm>> -> memref<128xi32, #tpu.memory_space<hbm>>
        %dma_wait3A_152 = arith.constant 0 : i32
        %dma_wait3A_153 = tpu.memref_slice %arg5[%add3A, %scan3A_50, %dma_wait3A_152] : memref<32x79x128xi32, #tpu.memory_space<hbm>> -> memref<1x1x128xi32, #tpu.memory_space<hbm>>
        %dma_wait3A_154 = tpu.memref_squeeze %dma_wait3A_153 : memref<1x1x128xi32, #tpu.memory_space<hbm>> -> memref<128xi32, #tpu.memory_space<hbm>>
        tpu.wait_dma2 semaphore(%run_scoped3A : memref<!tpu.dma_semaphore, #tpu.memory_space<semaphore_mem>>) src(%dma_wait3A_154 : memref<128xi32, #tpu.memory_space<hbm>>) dst(%arg9 : memref<128xi32, #tpu.memory_space<vmem>>)
        tpu.yield
      }) : () -> ()
      "tpu.region"() ({
        %run_scoped3A = tpu.sem_alloc : memref<!tpu.dma_semaphore, #tpu.memory_space<semaphore_mem>>
        %dma_start3A = arith.constant 0 : i32
        %dma_start3A_145 = tpu.memref_slice %arg6[%add3A, %scan3A_50, %dma_start3A] : memref<32x79x128xi32, #tpu.memory_space<hbm>> -> memref<1x1x128xi32, #tpu.memory_space<hbm>>
        %dma_start3A_146 = tpu.memref_squeeze %dma_start3A_145 : memref<1x1x128xi32, #tpu.memory_space<hbm>> -> memref<128xi32, #tpu.memory_space<hbm>>
        %dma_start3A_147 = arith.constant 0 : i32
        %dma_start3A_148 = tpu.memref_slice %arg6[%add3A, %scan3A_50, %dma_start3A_147] : memref<32x79x128xi32, #tpu.memory_space<hbm>> -> memref<1x1x128xi32, #tpu.memory_space<hbm>>
        %dma_start3A_149 = tpu.memref_squeeze %dma_start3A_148 : memref<1x1x128xi32, #tpu.memory_space<hbm>> -> memref<128xi32, #tpu.memory_space<hbm>>
        tpu.enqueue_dma source(%dma_start3A_149 : memref<128xi32, #tpu.memory_space<hbm>>) target(%arg10 : memref<128xi32, #tpu.memory_space<vmem>>) target_semaphore(%run_scoped3A : memref<!tpu.dma_semaphore, #tpu.memory_space<semaphore_mem>>)
        %dma_wait3A = arith.constant 0 : i32
        %dma_wait3A_150 = tpu.memref_slice %arg6[%add3A, %scan3A_50, %dma_wait3A] : memref<32x79x128xi32, #tpu.memory_space<hbm>> -> memref<1x1x128xi32, #tpu.memory_space<hbm>>
        %dma_wait3A_151 = tpu.memref_squeeze %dma_wait3A_150 : memref<1x1x128xi32, #tpu.memory_space<hbm>> -> memref<128xi32, #tpu.memory_space<hbm>>
        %dma_wait3A_152 = arith.constant 0 : i32
        %dma_wait3A_153 = tpu.memref_slice %arg6[%add3A, %scan3A_50, %dma_wait3A_152] : memref<32x79x128xi32, #tpu.memory_space<hbm>> -> memref<1x1x128xi32, #tpu.memory_space<hbm>>
        %dma_wait3A_154 = tpu.memref_squeeze %dma_wait3A_153 : memref<1x1x128xi32, #tpu.memory_space<hbm>> -> memref<128xi32, #tpu.memory_space<hbm>>
        tpu.wait_dma2 semaphore(%run_scoped3A : memref<!tpu.dma_semaphore, #tpu.memory_space<semaphore_mem>>) src(%dma_wait3A_154 : memref<128xi32, #tpu.memory_space<hbm>>) dst(%arg10 : memref<128xi32, #tpu.memory_space<vmem>>)
        tpu.yield
      }) : () -> ()
      "tpu.region"() ({
        %run_scoped3A = tpu.sem_alloc : memref<!tpu.dma_semaphore, #tpu.memory_space<semaphore_mem>>
        %dma_start3A = arith.constant 0 : i32
        %dma_start3A_145 = arith.constant 0 : i32
        %dma_start3A_146 = tpu.memref_slice %arg2[%dma_start3A, %dma_start3A_145] : memref<10000x128xf32, #tpu.memory_space<hbm>> -> memref<10000x128xf32, #tpu.memory_space<hbm>>
        tpu.enqueue_indirect_dma source(%dma_start3A_146 : memref<10000x128xf32, #tpu.memory_space<hbm>>) target(%arg13 : memref<128x128xf32, #tpu.memory_space<vmem>>) offsets(%arg9 : memref<128xi32, #tpu.memory_space<vmem>>) semaphore(%run_scoped3A : memref<!tpu.dma_semaphore, #tpu.memory_space<semaphore_mem>>)
        %dma_wait3A = arith.constant 0 : i32
        %dma_wait3A_147 = arith.constant 0 : i32
        %dma_wait3A_148 = tpu.memref_slice %arg2[%dma_wait3A, %dma_wait3A_147] : memref<10000x128xf32, #tpu.memory_space<hbm>> -> memref<10000x128xf32, #tpu.memory_space<hbm>>
        tpu.wait_indirect_dma semaphore(%run_scoped3A : memref<!tpu.dma_semaphore, #tpu.memory_space<semaphore_mem>>) src(%dma_wait3A_148 : memref<10000x128xf32, #tpu.memory_space<hbm>>) dst(%arg13 : memref<128x128xf32, #tpu.memory_space<vmem>>)
        tpu.yield
      }) : () -> ()
      "tpu.region"() ({
        %run_scoped3A = tpu.sem_alloc : memref<!tpu.dma_semaphore, #tpu.memory_space<semaphore_mem>>
        %dma_start3A = arith.constant 0 : i32
        %dma_start3A_145 = arith.constant 0 : i32
        %dma_start3A_146 = tpu.memref_slice %arg3[%dma_start3A, %dma_start3A_145] : memref<10000x16xf32, #tpu.memory_space<hbm>> -> memref<10000x16xf32, #tpu.memory_space<hbm>>
        tpu.enqueue_indirect_dma source(%dma_start3A_146 : memref<10000x16xf32, #tpu.memory_space<hbm>>) target(%arg11 : memref<128x16xf32, #tpu.memory_space<vmem>>) offsets(%arg9 : memref<128xi32, #tpu.memory_space<vmem>>) semaphore(%run_scoped3A : memref<!tpu.dma_semaphore, #tpu.memory_space<semaphore_mem>>)
        %dma_wait3A = arith.constant 0 : i32
        %dma_wait3A_147 = arith.constant 0 : i32
        %dma_wait3A_148 = tpu.memref_slice %arg3[%dma_wait3A, %dma_wait3A_147] : memref<10000x16xf32, #tpu.memory_space<hbm>> -> memref<10000x16xf32, #tpu.memory_space<hbm>>
        tpu.wait_indirect_dma semaphore(%run_scoped3A : memref<!tpu.dma_semaphore, #tpu.memory_space<semaphore_mem>>) src(%dma_wait3A_148 : memref<10000x16xf32, #tpu.memory_space<hbm>>) dst(%arg11 : memref<128x16xf32, #tpu.memory_space<vmem>>)
        tpu.yield
      }) : () -> ()
      "tpu.region"() ({
        %run_scoped3A = tpu.sem_alloc : memref<!tpu.dma_semaphore, #tpu.memory_space<semaphore_mem>>
        %dma_start3A = arith.constant 0 : i32
        %dma_start3A_145 = arith.constant 0 : i32
        %dma_start3A_146 = tpu.memref_slice %arg4[%dma_start3A, %dma_start3A_145] : memref<10016x16xf32, #tpu.memory_space<hbm>> -> memref<10016x16xf32, #tpu.memory_space<hbm>>
        tpu.enqueue_indirect_dma source(%dma_start3A_146 : memref<10016x16xf32, #tpu.memory_space<hbm>>) target(%arg12 : memref<128x16xf32, #tpu.memory_space<vmem>>) offsets(%arg10 : memref<128xi32, #tpu.memory_space<vmem>>) semaphore(%run_scoped3A : memref<!tpu.dma_semaphore, #tpu.memory_space<semaphore_mem>>)
        %dma_wait3A = arith.constant 0 : i32
        %dma_wait3A_147 = arith.constant 0 : i32
        %dma_wait3A_148 = tpu.memref_slice %arg4[%dma_wait3A, %dma_wait3A_147] : memref<10016x16xf32, #tpu.memory_space<hbm>> -> memref<10016x16xf32, #tpu.memory_space<hbm>>
        tpu.wait_indirect_dma semaphore(%run_scoped3A : memref<!tpu.dma_semaphore, #tpu.memory_space<semaphore_mem>>) src(%dma_wait3A_148 : memref<10016x16xf32, #tpu.memory_space<hbm>>) dst(%arg12 : memref<128x16xf32, #tpu.memory_space<vmem>>)
        tpu.yield
      }) : () -> ()
      %add3A_52 = arith.constant 0 : i32
      %add3A_53 = vector.broadcast %add3A_52 : i32 to vector<16xi32>
      %add3A_54 = arith.addi %add3A_53, %iota3A : vector<16xi32>
      %gather3A = tpu.vector_load_idx %arg11[%add3A_54, %broadcast_in_dim3A_31] : memref<128x16xf32, #tpu.memory_space<vmem>>[vector<16xi32>, vector<16xi32>], vector<16xf32>,
      %gather3A_55 = tpu.vector_load_idx %arg12[%add3A_54, %broadcast_in_dim3A_31] : memref<128x16xf32, #tpu.memory_space<vmem>>[vector<16xi32>, vector<16xi32>], vector<16xf32>,
      %add3A_56 = arith.addf %gather3A, %gather3A_55 : vector<16xf32>
      %mul3A_57 = arith.constant 0.00999999977 : f32
      %mul3A_58 = vector.broadcast %mul3A_57 : f32 to vector<16xf32>
      %mul3A_59 = arith.mulf %add3A_56, %mul3A_58 : vector<16xf32>
      %max3A = arith.maximumf %add3A_56, %mul3A_59 : vector<16xf32>
      %exp3A = math.exp %max3A : vector<16xf32>
      tpu.vector_store_idx %arg14[%add3A_54, %broadcast_in_dim3A_31], %exp3A : memref<128x16xf32, #tpu.memory_space<vmem>>[vector<16xi32>, vector<16xi32>], vector<16xf32>,
      %add3A_60 = arith.constant 16 : i32
      %add3A_61 = vector.broadcast %add3A_60 : i32 to vector<16xi32>
      %add3A_62 = arith.addi %add3A_61, %iota3A : vector<16xi32>
      %gather3A_63 = tpu.vector_load_idx %arg11[%add3A_62, %broadcast_in_dim3A_31] : memref<128x16xf32, #tpu.memory_space<vmem>>[vector<16xi32>, vector<16xi32>], vector<16xf32>,
      %gather3A_64 = tpu.vector_load_idx %arg12[%add3A_62, %broadcast_in_dim3A_31] : memref<128x16xf32, #tpu.memory_space<vmem>>[vector<16xi32>, vector<16xi32>], vector<16xf32>,
      %add3A_65 = arith.addf %gather3A_63, %gather3A_64 : vector<16xf32>
      %mul3A_66 = arith.constant 0.00999999977 : f32
      %mul3A_67 = vector.broadcast %mul3A_66 : f32 to vector<16xf32>
      %mul3A_68 = arith.mulf %add3A_65, %mul3A_67 : vector<16xf32>
      %max3A_69 = arith.maximumf %add3A_65, %mul3A_68 : vector<16xf32>
      %exp3A_70 = math.exp %max3A_69 : vector<16xf32>
      tpu.vector_store_idx %arg14[%add3A_62, %broadcast_in_dim3A_31], %exp3A_70 : memref<128x16xf32, #tpu.memory_space<vmem>>[vector<16xi32>, vector<16xi32>], vector<16xf32>,
      %add3A_71 = arith.constant 32 : i32
      %add3A_72 = vector.broadcast %add3A_71 : i32 to vector<16xi32>
      %add3A_73 = arith.addi %add3A_72, %iota3A : vector<16xi32>
      %gather3A_74 = tpu.vector_load_idx %arg11[%add3A_73, %broadcast_in_dim3A_31] : memref<128x16xf32, #tpu.memory_space<vmem>>[vector<16xi32>, vector<16xi32>], vector<16xf32>,
      %gather3A_75 = tpu.vector_load_idx %arg12[%add3A_73, %broadcast_in_dim3A_31] : memref<128x16xf32, #tpu.memory_space<vmem>>[vector<16xi32>, vector<16xi32>], vector<16xf32>,
      %add3A_76 = arith.addf %gather3A_74, %gather3A_75 : vector<16xf32>
      %mul3A_77 = arith.constant 0.00999999977 : f32
      %mul3A_78 = vector.broadcast %mul3A_77 : f32 to vector<16xf32>
      %mul3A_79 = arith.mulf %add3A_76, %mul3A_78 : vector<16xf32>
      %max3A_80 = arith.maximumf %add3A_76, %mul3A_79 : vector<16xf32>
      %exp3A_81 = math.exp %max3A_80 : vector<16xf32>
      tpu.vector_store_idx %arg14[%add3A_73, %broadcast_in_dim3A_31], %exp3A_81 : memref<128x16xf32, #tpu.memory_space<vmem>>[vector<16xi32>, vector<16xi32>], vector<16xf32>,
      %add3A_82 = arith.constant 48 : i32
      %add3A_83 = vector.broadcast %add3A_82 : i32 to vector<16xi32>
      %add3A_84 = arith.addi %add3A_83, %iota3A : vector<16xi32>
      %gather3A_85 = tpu.vector_load_idx %arg11[%add3A_84, %broadcast_in_dim3A_31] : memref<128x16xf32, #tpu.memory_space<vmem>>[vector<16xi32>, vector<16xi32>], vector<16xf32>,
      %gather3A_86 = tpu.vector_load_idx %arg12[%add3A_84, %broadcast_in_dim3A_31] : memref<128x16xf32, #tpu.memory_space<vmem>>[vector<16xi32>, vector<16xi32>], vector<16xf32>,
      %add3A_87 = arith.addf %gather3A_85, %gather3A_86 : vector<16xf32>
      %mul3A_88 = arith.constant 0.00999999977 : f32
      %mul3A_89 = vector.broadcast %mul3A_88 : f32 to vector<16xf32>
      %mul3A_90 = arith.mulf %add3A_87, %mul3A_89 : vector<16xf32>
      %max3A_91 = arith.maximumf %add3A_87, %mul3A_90 : vector<16xf32>
      %exp3A_92 = math.exp %max3A_91 : vector<16xf32>
      tpu.vector_store_idx %arg14[%add3A_84, %broadcast_in_dim3A_31], %exp3A_92 : memref<128x16xf32, #tpu.memory_space<vmem>>[vector<16xi32>, vector<16xi32>], vector<16xf32>,
      %add3A_93 = arith.constant 64 : i32
      %add3A_94 = vector.broadcast %add3A_93 : i32 to vector<16xi32>
      %add3A_95 = arith.addi %add3A_94, %iota3A : vector<16xi32>
      %gather3A_96 = tpu.vector_load_idx %arg11[%add3A_95, %broadcast_in_dim3A_31] : memref<128x16xf32, #tpu.memory_space<vmem>>[vector<16xi32>, vector<16xi32>], vector<16xf32>,
      %gather3A_97 = tpu.vector_load_idx %arg12[%add3A_95, %broadcast_in_dim3A_31] : memref<128x16xf32, #tpu.memory_space<vmem>>[vector<16xi32>, vector<16xi32>], vector<16xf32>,
      %add3A_98 = arith.addf %gather3A_96, %gather3A_97 : vector<16xf32>
      %mul3A_99 = arith.constant 0.00999999977 : f32
      %mul3A_100 = vector.broadcast %mul3A_99 : f32 to vector<16xf32>
      %mul3A_101 = arith.mulf %add3A_98, %mul3A_100 : vector<16xf32>
      %max3A_102 = arith.maximumf %add3A_98, %mul3A_101 : vector<16xf32>
      %exp3A_103 = math.exp %max3A_102 : vector<16xf32>
      tpu.vector_store_idx %arg14[%add3A_95, %broadcast_in_dim3A_31], %exp3A_103 : memref<128x16xf32, #tpu.memory_space<vmem>>[vector<16xi32>, vector<16xi32>], vector<16xf32>,
      %add3A_104 = arith.constant 80 : i32
      %add3A_105 = vector.broadcast %add3A_104 : i32 to vector<16xi32>
      %add3A_106 = arith.addi %add3A_105, %iota3A : vector<16xi32>
      %gather3A_107 = tpu.vector_load_idx %arg11[%add3A_106, %broadcast_in_dim3A_31] : memref<128x16xf32, #tpu.memory_space<vmem>>[vector<16xi32>, vector<16xi32>], vector<16xf32>,
      %gather3A_108 = tpu.vector_load_idx %arg12[%add3A_106, %broadcast_in_dim3A_31] : memref<128x16xf32, #tpu.memory_space<vmem>>[vector<16xi32>, vector<16xi32>], vector<16xf32>,
      %add3A_109 = arith.addf %gather3A_107, %gather3A_108 : vector<16xf32>
      %mul3A_110 = arith.constant 0.00999999977 : f32
      %mul3A_111 = vector.broadcast %mul3A_110 : f32 to vector<16xf32>
      %mul3A_112 = arith.mulf %add3A_109, %mul3A_111 : vector<16xf32>
      %max3A_113 = arith.maximumf %add3A_109, %mul3A_112 : vector<16xf32>
      %exp3A_114 = math.exp %max3A_113 : vector<16xf32>
      tpu.vector_store_idx %arg14[%add3A_106, %broadcast_in_dim3A_31], %exp3A_114 : memref<128x16xf32, #tpu.memory_space<vmem>>[vector<16xi32>, vector<16xi32>], vector<16xf32>,
      %add3A_115 = arith.constant 96 : i32
      %add3A_116 = vector.broadcast %add3A_115 : i32 to vector<16xi32>
      %add3A_117 = arith.addi %add3A_116, %iota3A : vector<16xi32>
      %gather3A_118 = tpu.vector_load_idx %arg11[%add3A_117, %broadcast_in_dim3A_31] : memref<128x16xf32, #tpu.memory_space<vmem>>[vector<16xi32>, vector<16xi32>], vector<16xf32>,
      %gather3A_119 = tpu.vector_load_idx %arg12[%add3A_117, %broadcast_in_dim3A_31] : memref<128x16xf32, #tpu.memory_space<vmem>>[vector<16xi32>, vector<16xi32>], vector<16xf32>,
      %add3A_120 = arith.addf %gather3A_118, %gather3A_119 : vector<16xf32>
      %mul3A_121 = arith.constant 0.00999999977 : f32
      %mul3A_122 = vector.broadcast %mul3A_121 : f32 to vector<16xf32>
      %mul3A_123 = arith.mulf %add3A_120, %mul3A_122 : vector<16xf32>
      %max3A_124 = arith.maximumf %add3A_120, %mul3A_123 : vector<16xf32>
      %exp3A_125 = math.exp %max3A_124 : vector<16xf32>
      tpu.vector_store_idx %arg14[%add3A_117, %broadcast_in_dim3A_31], %exp3A_125 : memref<128x16xf32, #tpu.memory_space<vmem>>[vector<16xi32>, vector<16xi32>], vector<16xf32>,
      %add3A_126 = arith.constant 112 : i32
      %add3A_127 = vector.broadcast %add3A_126 : i32 to vector<16xi32>
      %add3A_128 = arith.addi %add3A_127, %iota3A : vector<16xi32>
      %gather3A_129 = tpu.vector_load_idx %arg11[%add3A_128, %broadcast_in_dim3A_31] : memref<128x16xf32, #tpu.memory_space<vmem>>[vector<16xi32>, vector<16xi32>], vector<16xf32>,
      %gather3A_130 = tpu.vector_load_idx %arg12[%add3A_128, %broadcast_in_dim3A_31] : memref<128x16xf32, #tpu.memory_space<vmem>>[vector<16xi32>, vector<16xi32>], vector<16xf32>,
      %add3A_131 = arith.addf %gather3A_129, %gather3A_130 : vector<16xf32>
      %mul3A_132 = arith.constant 0.00999999977 : f32
      %mul3A_133 = vector.broadcast %mul3A_132 : f32 to vector<16xf32>
      %mul3A_134 = arith.mulf %add3A_131, %mul3A_133 : vector<16xf32>
      %max3A_135 = arith.maximumf %add3A_131, %mul3A_134 : vector<16xf32>
      %exp3A_136 = math.exp %max3A_135 : vector<16xf32>
      tpu.vector_store_idx %arg14[%add3A_128, %broadcast_in_dim3A_31], %exp3A_136 : memref<128x16xf32, #tpu.memory_space<vmem>>[vector<16xi32>, vector<16xi32>], vector<16xf32>,
      %scan3A_137 = arith.constant 0 : i32
      %scan3A_138 = arith.constant 0 : i32
      %scan3A_139 = arith.constant 128 : i32
      %scan3A_140 = arith.addi %scan3A_138, %scan3A_139 : i32
      %scan3A_141 = arith.constant 1 : i32
      %scan3A_142 = scf.for %scan3A_145 = %scan3A_138 to %scan3A_140 step %scan3A_141 iter_args(%scan3A_146 = %scan3A_137) -> (i32)  : i32 {
        %get3A = arith.index_cast %scan3A_145 : i32 to index
        %get3A_147 = arith.constant 0 : index
        %get3A_148 = tpu.vector_load %arg14[%get3A, %get3A_147] {strides = array<i32>} : memref<128x16xf32, #tpu.memory_space<vmem>>, vector<16xf32>,
        %slice3A = vector.extract_strided_slice %get3A_148 {offsets = [0], sizes = [1], strides = [1]} : vector<16xf32> to vector<1xf32>
        %squeeze3A = vector.extract %slice3A[0] : f32 from vector<1xf32>
        %get3A_149 = arith.index_cast %scan3A_145 : i32 to index
        %get3A_150 = arith.constant 0 : index
        %get3A_151 = tpu.vector_load %arg13[%get3A_149, %get3A_150] {strides = array<i32>} : memref<128x128xf32, #tpu.memory_space<vmem>>, vector<16xf32>,
        %mul3A_152 = vector.broadcast %squeeze3A : f32 to vector<16xf32>
        %mul3A_153 = arith.mulf %get3A_151, %mul3A_152 : vector<16xf32>
        %swap3A = arith.index_cast %scan3A_145 : i32 to index
        %swap3A_154 = arith.constant 0 : index
        %swap3A_155 = tpu.vector_load %arg13[%swap3A, %swap3A_154] {strides = array<i32>} : memref<128x128xf32, #tpu.memory_space<vmem>>, vector<16xf32>,
        tpu.vector_store %arg13[%swap3A, %swap3A_154], %mul3A_153 {strides = array<i32>} : memref<128x128xf32, #tpu.memory_space<vmem>>, vector<16xf32>,
        %get3A_156 = arith.index_cast %scan3A_145 : i32 to index
        %get3A_157 = arith.constant 16 : index
        %get3A_158 = tpu.vector_load %arg13[%get3A_156, %get3A_157] {strides = array<i32>} : memref<128x128xf32, #tpu.memory_space<vmem>>, vector<16xf32>,
        %mul3A_159 = vector.broadcast %squeeze3A : f32 to vector<16xf32>
        %mul3A_160 = arith.mulf %get3A_158, %mul3A_159 : vector<16xf32>
        %swap3A_161 = arith.index_cast %scan3A_145 : i32 to index
        %swap3A_162 = arith.constant 16 : index
        %swap3A_163 = tpu.vector_load %arg13[%swap3A_161, %swap3A_162] {strides = array<i32>} : memref<128x128xf32, #tpu.memory_space<vmem>>, vector<16xf32>,
        tpu.vector_store %arg13[%swap3A_161, %swap3A_162], %mul3A_160 {strides = array<i32>} : memref<128x128xf32, #tpu.memory_space<vmem>>, vector<16xf32>,
        %get3A_164 = arith.index_cast %scan3A_145 : i32 to index
        %get3A_165 = arith.constant 32 : index
        %get3A_166 = tpu.vector_load %arg13[%get3A_164, %get3A_165] {strides = array<i32>} : memref<128x128xf32, #tpu.memory_space<vmem>>, vector<16xf32>,
        %mul3A_167 = vector.broadcast %squeeze3A : f32 to vector<16xf32>
        %mul3A_168 = arith.mulf %get3A_166, %mul3A_167 : vector<16xf32>
        %swap3A_169 = arith.index_cast %scan3A_145 : i32 to index
        %swap3A_170 = arith.constant 32 : index
        %swap3A_171 = tpu.vector_load %arg13[%swap3A_169, %swap3A_170] {strides = array<i32>} : memref<128x128xf32, #tpu.memory_space<vmem>>, vector<16xf32>,
        tpu.vector_store %arg13[%swap3A_169, %swap3A_170], %mul3A_168 {strides = array<i32>} : memref<128x128xf32, #tpu.memory_space<vmem>>, vector<16xf32>,
        %get3A_172 = arith.index_cast %scan3A_145 : i32 to index
        %get3A_173 = arith.constant 48 : index
        %get3A_174 = tpu.vector_load %arg13[%get3A_172, %get3A_173] {strides = array<i32>} : memref<128x128xf32, #tpu.memory_space<vmem>>, vector<16xf32>,
        %mul3A_175 = vector.broadcast %squeeze3A : f32 to vector<16xf32>
        %mul3A_176 = arith.mulf %get3A_174, %mul3A_175 : vector<16xf32>
        %swap3A_177 = arith.index_cast %scan3A_145 : i32 to index
        %swap3A_178 = arith.constant 48 : index
        %swap3A_179 = tpu.vector_load %arg13[%swap3A_177, %swap3A_178] {strides = array<i32>} : memref<128x128xf32, #tpu.memory_space<vmem>>, vector<16xf32>,
        tpu.vector_store %arg13[%swap3A_177, %swap3A_178], %mul3A_176 {strides = array<i32>} : memref<128x128xf32, #tpu.memory_space<vmem>>, vector<16xf32>,
        %get3A_180 = arith.index_cast %scan3A_145 : i32 to index
        %get3A_181 = arith.constant 64 : index
        %get3A_182 = tpu.vector_load %arg13[%get3A_180, %get3A_181] {strides = array<i32>} : memref<128x128xf32, #tpu.memory_space<vmem>>, vector<16xf32>,
        %mul3A_183 = vector.broadcast %squeeze3A : f32 to vector<16xf32>
        %mul3A_184 = arith.mulf %get3A_182, %mul3A_183 : vector<16xf32>
        %swap3A_185 = arith.index_cast %scan3A_145 : i32 to index
        %swap3A_186 = arith.constant 64 : index
        %swap3A_187 = tpu.vector_load %arg13[%swap3A_185, %swap3A_186] {strides = array<i32>} : memref<128x128xf32, #tpu.memory_space<vmem>>, vector<16xf32>,
        tpu.vector_store %arg13[%swap3A_185, %swap3A_186], %mul3A_184 {strides = array<i32>} : memref<128x128xf32, #tpu.memory_space<vmem>>, vector<16xf32>,
        %get3A_188 = arith.index_cast %scan3A_145 : i32 to index
        %get3A_189 = arith.constant 80 : index
        %get3A_190 = tpu.vector_load %arg13[%get3A_188, %get3A_189] {strides = array<i32>} : memref<128x128xf32, #tpu.memory_space<vmem>>, vector<16xf32>,
        %mul3A_191 = vector.broadcast %squeeze3A : f32 to vector<16xf32>
        %mul3A_192 = arith.mulf %get3A_190, %mul3A_191 : vector<16xf32>
        %swap3A_193 = arith.index_cast %scan3A_145 : i32 to index
        %swap3A_194 = arith.constant 80 : index
        %swap3A_195 = tpu.vector_load %arg13[%swap3A_193, %swap3A_194] {strides = array<i32>} : memref<128x128xf32, #tpu.memory_space<vmem>>, vector<16xf32>,
        tpu.vector_store %arg13[%swap3A_193, %swap3A_194], %mul3A_192 {strides = array<i32>} : memref<128x128xf32, #tpu.memory_space<vmem>>, vector<16xf32>,
        %get3A_196 = arith.index_cast %scan3A_145 : i32 to index
        %get3A_197 = arith.constant 96 : index
        %get3A_198 = tpu.vector_load %arg13[%get3A_196, %get3A_197] {strides = array<i32>} : memref<128x128xf32, #tpu.memory_space<vmem>>, vector<16xf32>,
        %mul3A_199 = vector.broadcast %squeeze3A : f32 to vector<16xf32>
        %mul3A_200 = arith.mulf %get3A_198, %mul3A_199 : vector<16xf32>
        %swap3A_201 = arith.index_cast %scan3A_145 : i32 to index
        %swap3A_202 = arith.constant 96 : index
        %swap3A_203 = tpu.vector_load %arg13[%swap3A_201, %swap3A_202] {strides = array<i32>} : memref<128x128xf32, #tpu.memory_space<vmem>>, vector<16xf32>,
        tpu.vector_store %arg13[%swap3A_201, %swap3A_202], %mul3A_200 {strides = array<i32>} : memref<128x128xf32, #tpu.memory_space<vmem>>, vector<16xf32>,
        %get3A_204 = arith.index_cast %scan3A_145 : i32 to index
        %get3A_205 = arith.constant 112 : index
        %get3A_206 = tpu.vector_load %arg13[%get3A_204, %get3A_205] {strides = array<i32>} : memref<128x128xf32, #tpu.memory_space<vmem>>, vector<16xf32>,
        %mul3A_207 = vector.broadcast %squeeze3A : f32 to vector<16xf32>
        %mul3A_208 = arith.mulf %get3A_206, %mul3A_207 : vector<16xf32>
        %swap3A_209 = arith.index_cast %scan3A_145 : i32 to index
        %swap3A_210 = arith.constant 112 : index
        %swap3A_211 = tpu.vector_load %arg13[%swap3A_209, %swap3A_210] {strides = array<i32>} : memref<128x128xf32, #tpu.memory_space<vmem>>, vector<16xf32>,
        tpu.vector_store %arg13[%swap3A_209, %swap3A_210], %mul3A_208 {strides = array<i32>} : memref<128x128xf32, #tpu.memory_space<vmem>>, vector<16xf32>,
        %scan3A_212 = arith.constant 0 : i32
        scf.yield %scan3A_212 : i32
      }
      %scan3A_143 = arith.constant 128 : i32
      "tpu.region"() ({
        %run_scoped3A = tpu.sem_alloc : memref<!tpu.dma_semaphore, #tpu.memory_space<semaphore_mem>>
        %dma_start3A = arith.constant 0 : i32
        %dma_start3A_145 = arith.constant 0 : i32
        %dma_start3A_146 = tpu.memref_slice %arg15[%dma_start3A, %dma_start3A_145] : memref<10112x128xf32, #tpu.memory_space<vmem_shared>> -> memref<10112x128xf32, #tpu.memory_space<vmem_shared>>
        tpu.enqueue_indirect_dma source(%arg13 : memref<128x128xf32, #tpu.memory_space<vmem>>) target(%dma_start3A_146 : memref<10112x128xf32, #tpu.memory_space<vmem_shared>>) offsets(%arg10 : memref<128xi32, #tpu.memory_space<vmem>>) semaphore(%run_scoped3A : memref<!tpu.dma_semaphore, #tpu.memory_space<semaphore_mem>>) {add = true}
        %dma_wait3A = arith.constant 0 : i32
        %dma_wait3A_147 = arith.constant 0 : i32
        %dma_wait3A_148 = tpu.memref_slice %arg15[%dma_wait3A, %dma_wait3A_147] : memref<10112x128xf32, #tpu.memory_space<vmem_shared>> -> memref<10112x128xf32, #tpu.memory_space<vmem_shared>>
        tpu.wait_indirect_dma semaphore(%run_scoped3A : memref<!tpu.dma_semaphore, #tpu.memory_space<semaphore_mem>>) src(%arg13 : memref<128x128xf32, #tpu.memory_space<vmem>>) dst(%dma_wait3A_148 : memref<10112x128xf32, #tpu.memory_space<vmem_shared>>)
        tpu.yield
      }) : () -> ()
      "tpu.region"() ({
        %run_scoped3A = tpu.sem_alloc : memref<!tpu.dma_semaphore, #tpu.memory_space<semaphore_mem>>
        %dma_start3A = arith.constant 0 : i32
        %dma_start3A_145 = arith.constant 0 : i32
        %dma_start3A_146 = tpu.memref_slice %arg16[%dma_start3A, %dma_start3A_145] : memref<10112x16xf32, #tpu.memory_space<vmem_shared>> -> memref<10112x16xf32, #tpu.memory_space<vmem_shared>>
        tpu.enqueue_indirect_dma source(%arg14 : memref<128x16xf32, #tpu.memory_space<vmem>>) target(%dma_start3A_146 : memref<10112x16xf32, #tpu.memory_space<vmem_shared>>) offsets(%arg10 : memref<128xi32, #tpu.memory_space<vmem>>) semaphore(%run_scoped3A : memref<!tpu.dma_semaphore, #tpu.memory_space<semaphore_mem>>) {add = true}
        %dma_wait3A = arith.constant 0 : i32
        %dma_wait3A_147 = arith.constant 0 : i32
        %dma_wait3A_148 = tpu.memref_slice %arg16[%dma_wait3A, %dma_wait3A_147] : memref<10112x16xf32, #tpu.memory_space<vmem_shared>> -> memref<10112x16xf32, #tpu.memory_space<vmem_shared>>
        tpu.wait_indirect_dma semaphore(%run_scoped3A : memref<!tpu.dma_semaphore, #tpu.memory_space<semaphore_mem>>) src(%arg14 : memref<128x16xf32, #tpu.memory_space<vmem>>) dst(%dma_wait3A_148 : memref<10112x16xf32, #tpu.memory_space<vmem_shared>>)
        tpu.yield
      }) : () -> ()
      %scan3A_144 = arith.constant 0 : i32
      scf.yield %scan3A_144 : i32
    }
    %scan3A_38 = arith.constant 79 : i32
    %barrier3A_39 = arith.constant 0 : index
    tpu.barrier barrier_id(%barrier3A_39)
    %mul3A_40 = arith.constant 624 : i32
    %mul3A_41 = arith.muli %arg1, %mul3A_40 : i32
    %mul3A_42 = arith.constant 624 : i32
    %mul3A_43 = arith.muli %arg1, %mul3A_42 : i32
    "tpu.region"() ({
      %run_scoped3A = tpu.sem_alloc : memref<!tpu.dma_semaphore, #tpu.memory_space<semaphore_mem>>
      %dma_start3A = arith.constant 0 : i32
      %dma_start3A_50 = tpu.memref_slice %arg7[%arg0, %mul3A_43, %dma_start3A] : memref<2x10000x128xf32, #tpu.memory_space<hbm>> -> memref<1x624x128xf32, #tpu.memory_space<hbm>>
      %dma_start3A_51 = tpu.memref_squeeze %dma_start3A_50 : memref<1x624x128xf32, #tpu.memory_space<hbm>> -> memref<624x128xf32, #tpu.memory_space<hbm>>
      %dma_start3A_52 = arith.constant 0 : i32
      %dma_start3A_53 = tpu.memref_slice %arg15[%mul3A_41, %dma_start3A_52] : memref<10112x128xf32, #tpu.memory_space<vmem_shared>> -> memref<624x128xf32, #tpu.memory_space<vmem_shared>>
      tpu.enqueue_dma source(%dma_start3A_53 : memref<624x128xf32, #tpu.memory_space<vmem_shared>>) target(%dma_start3A_51 : memref<624x128xf32, #tpu.memory_space<hbm>>) target_semaphore(%run_scoped3A : memref<!tpu.dma_semaphore, #tpu.memory_space<semaphore_mem>>)
      %dma_wait3A = arith.constant 0 : i32
      %dma_wait3A_54 = tpu.memref_slice %arg7[%arg0, %mul3A_43, %dma_wait3A] : memref<2x10000x128xf32, #tpu.memory_space<hbm>> -> memref<1x624x128xf32, #tpu.memory_space<hbm>>
      %dma_wait3A_55 = tpu.memref_squeeze %dma_wait3A_54 : memref<1x624x128xf32, #tpu.memory_space<hbm>> -> memref<624x128xf32, #tpu.memory_space<hbm>>
      %dma_wait3A_56 = arith.constant 0 : i32
      %dma_wait3A_57 = tpu.memref_slice %arg15[%mul3A_41, %dma_wait3A_56] : memref<10112x128xf32, #tpu.memory_space<vmem_shared>> -> memref<624x128xf32, #tpu.memory_space<vmem_shared>>
      tpu.wait_dma2 semaphore(%run_scoped3A : memref<!tpu.dma_semaphore, #tpu.memory_space<semaphore_mem>>) src(%dma_wait3A_57 : memref<624x128xf32, #tpu.memory_space<vmem_shared>>) dst(%dma_wait3A_55 : memref<624x128xf32, #tpu.memory_space<hbm>>)
      tpu.yield
    }) : () -> ()
    %mul3A_44 = arith.constant 624 : i32
    %mul3A_45 = arith.muli %arg1, %mul3A_44 : i32
    %mul3A_46 = arith.constant 624 : i32
    %mul3A_47 = arith.muli %arg1, %mul3A_46 : i32
    "tpu.region"() ({
      %run_scoped3A = tpu.sem_alloc : memref<!tpu.dma_semaphore, #tpu.memory_space<semaphore_mem>>
      %dma_start3A = arith.constant 0 : i32
      %dma_start3A_50 = tpu.memref_slice %arg8[%arg0, %mul3A_47, %dma_start3A] : memref<2x10000x16xf32, #tpu.memory_space<hbm>> -> memref<1x624x16xf32, #tpu.memory_space<hbm>>
      %dma_start3A_51 = tpu.memref_squeeze %dma_start3A_50 : memref<1x624x16xf32, #tpu.memory_space<hbm>> -> memref<624x16xf32, #tpu.memory_space<hbm>>
      %dma_start3A_52 = arith.constant 0 : i32
      %dma_start3A_53 = tpu.memref_slice %arg16[%mul3A_45, %dma_start3A_52] : memref<10112x16xf32, #tpu.memory_space<vmem_shared>> -> memref<624x16xf32, #tpu.memory_space<vmem_shared>>
      tpu.enqueue_dma source(%dma_start3A_53 : memref<624x16xf32, #tpu.memory_space<vmem_shared>>) target(%dma_start3A_51 : memref<624x16xf32, #tpu.memory_space<hbm>>) target_semaphore(%run_scoped3A : memref<!tpu.dma_semaphore, #tpu.memory_space<semaphore_mem>>)
      %dma_wait3A = arith.constant 0 : i32
      %dma_wait3A_54 = tpu.memref_slice %arg8[%arg0, %mul3A_47, %dma_wait3A] : memref<2x10000x16xf32, #tpu.memory_space<hbm>> -> memref<1x624x16xf32, #tpu.memory_space<hbm>>
      %dma_wait3A_55 = tpu.memref_squeeze %dma_wait3A_54 : memref<1x624x16xf32, #tpu.memory_space<hbm>> -> memref<624x16xf32, #tpu.memory_space<hbm>>
      %dma_wait3A_56 = arith.constant 0 : i32
      %dma_wait3A_57 = tpu.memref_slice %arg16[%mul3A_45, %dma_wait3A_56] : memref<10112x16xf32, #tpu.memory_space<vmem_shared>> -> memref<624x16xf32, #tpu.memory_space<vmem_shared>>
      tpu.wait_dma2 semaphore(%run_scoped3A : memref<!tpu.dma_semaphore, #tpu.memory_space<semaphore_mem>>) src(%dma_wait3A_57 : memref<624x16xf32, #tpu.memory_space<vmem_shared>>) dst(%dma_wait3A_55 : memref<624x16xf32, #tpu.memory_space<hbm>>)
      tpu.yield
    }) : () -> ()
    %eq3A = arith.constant 15 : i32
    %eq3A_48 = arith.cmpi eq, %arg1, %eq3A : i32
    %convert_element_type3A = arith.extui %eq3A_48 : i1 to i32
    %cond3A = arith.constant 0 : i32
    %cond3A_49 = arith.cmpi ne, %convert_element_type3A, %cond3A : i32
    scf.if %cond3A_49 {
      "tpu.region"() ({
        %run_scoped3A = tpu.sem_alloc : memref<!tpu.dma_semaphore, #tpu.memory_space<semaphore_mem>>
        %dma_start3A = arith.constant 9984 : i32
        %dma_start3A_50 = arith.constant 0 : i32
        %dma_start3A_51 = tpu.memref_slice %arg7[%arg0, %dma_start3A, %dma_start3A_50] : memref<2x10000x128xf32, #tpu.memory_space<hbm>> -> memref<1x16x128xf32, #tpu.memory_space<hbm>>
        %dma_start3A_52 = tpu.memref_squeeze %dma_start3A_51 : memref<1x16x128xf32, #tpu.memory_space<hbm>> -> memref<16x128xf32, #tpu.memory_space<hbm>>
        %dma_start3A_53 = arith.constant 9984 : i32
        %dma_start3A_54 = arith.constant 0 : i32
        %dma_start3A_55 = tpu.memref_slice %arg15[%dma_start3A_53, %dma_start3A_54] : memref<10112x128xf32, #tpu.memory_space<vmem_shared>> -> memref<16x128xf32, #tpu.memory_space<vmem_shared>>
        tpu.enqueue_dma source(%dma_start3A_55 : memref<16x128xf32, #tpu.memory_space<vmem_shared>>) target(%dma_start3A_52 : memref<16x128xf32, #tpu.memory_space<hbm>>) target_semaphore(%run_scoped3A : memref<!tpu.dma_semaphore, #tpu.memory_space<semaphore_mem>>)
        %dma_wait3A = arith.constant 9984 : i32
        %dma_wait3A_56 = arith.constant 0 : i32
        %dma_wait3A_57 = tpu.memref_slice %arg7[%arg0, %dma_wait3A, %dma_wait3A_56] : memref<2x10000x128xf32, #tpu.memory_space<hbm>> -> memref<1x16x128xf32, #tpu.memory_space<hbm>>
        %dma_wait3A_58 = tpu.memref_squeeze %dma_wait3A_57 : memref<1x16x128xf32, #tpu.memory_space<hbm>> -> memref<16x128xf32, #tpu.memory_space<hbm>>
        %dma_wait3A_59 = arith.constant 9984 : i32
        %dma_wait3A_60 = arith.constant 0 : i32
        %dma_wait3A_61 = tpu.memref_slice %arg15[%dma_wait3A_59, %dma_wait3A_60] : memref<10112x128xf32, #tpu.memory_space<vmem_shared>> -> memref<16x128xf32, #tpu.memory_space<vmem_shared>>
        tpu.wait_dma2 semaphore(%run_scoped3A : memref<!tpu.dma_semaphore, #tpu.memory_space<semaphore_mem>>) src(%dma_wait3A_61 : memref<16x128xf32, #tpu.memory_space<vmem_shared>>) dst(%dma_wait3A_58 : memref<16x128xf32, #tpu.memory_space<hbm>>)
        tpu.yield
      }) : () -> ()
      "tpu.region"() ({
        %run_scoped3A = tpu.sem_alloc : memref<!tpu.dma_semaphore, #tpu.memory_space<semaphore_mem>>
        %dma_start3A = arith.constant 9984 : i32
        %dma_start3A_50 = arith.constant 0 : i32
        %dma_start3A_51 = tpu.memref_slice %arg8[%arg0, %dma_start3A, %dma_start3A_50] : memref<2x10000x16xf32, #tpu.memory_space<hbm>> -> memref<1x16x16xf32, #tpu.memory_space<hbm>>
        %dma_start3A_52 = tpu.memref_squeeze %dma_start3A_51 : memref<1x16x16xf32, #tpu.memory_space<hbm>> -> memref<16x16xf32, #tpu.memory_space<hbm>>
        %dma_start3A_53 = arith.constant 9984 : i32
        %dma_start3A_54 = arith.constant 0 : i32
        %dma_start3A_55 = tpu.memref_slice %arg16[%dma_start3A_53, %dma_start3A_54] : memref<10112x16xf32, #tpu.memory_space<vmem_shared>> -> memref<16x16xf32, #tpu.memory_space<vmem_shared>>
        tpu.enqueue_dma source(%dma_start3A_55 : memref<16x16xf32, #tpu.memory_space<vmem_shared>>) target(%dma_start3A_52 : memref<16x16xf32, #tpu.memory_space<hbm>>) target_semaphore(%run_scoped3A : memref<!tpu.dma_semaphore, #tpu.memory_space<semaphore_mem>>)
        %dma_wait3A = arith.constant 9984 : i32
        %dma_wait3A_56 = arith.constant 0 : i32
        %dma_wait3A_57 = tpu.memref_slice %arg8[%arg0, %dma_wait3A, %dma_wait3A_56] : memref<2x10000x16xf32, #tpu.memory_space<hbm>> -> memref<1x16x16xf32, #tpu.memory_space<hbm>>
        %dma_wait3A_58 = tpu.memref_squeeze %dma_wait3A_57 : memref<1x16x16xf32, #tpu.memory_space<hbm>> -> memref<16x16xf32, #tpu.memory_space<hbm>>
        %dma_wait3A_59 = arith.constant 9984 : i32
        %dma_wait3A_60 = arith.constant 0 : i32
        %dma_wait3A_61 = tpu.memref_slice %arg16[%dma_wait3A_59, %dma_wait3A_60] : memref<10112x16xf32, #tpu.memory_space<vmem_shared>> -> memref<16x16xf32, #tpu.memory_space<vmem_shared>>
        tpu.wait_dma2 semaphore(%run_scoped3A : memref<!tpu.dma_semaphore, #tpu.memory_space<semaphore_mem>>) src(%dma_wait3A_61 : memref<16x16xf32, #tpu.memory_space<vmem_shared>>) dst(%dma_wait3A_58 : memref<16x16xf32, #tpu.memory_space<hbm>>)
        tpu.yield
      }) : () -> ()
    } else {
    }
    return
  }
}

module attributes {stable_mosaic.version = 14 : i64} {
  func.func @_tc1_body(%arg0: i32, %arg1: memref<2000x128xf32, #tpu.memory_space<vmem>>, %arg2: memref<128x128xf32, #tpu.memory_space<vmem>>, %arg3: memref<128x128xf32, #tpu.memory_space<vmem>>, %arg4: memref<128x32xf32, #tpu.memory_space<vmem>>, %arg5: memref<2000x128xf32, #tpu.memory_space<vmem>>, %arg6: memref<2000x128xf32, #tpu.memory_space<vmem>>, %arg7: memref<2000x32xf32, #tpu.memory_space<vmem>>) attributes {dimension_semantics = [#tpu.dimension_semantics<arbitrary>], iteration_bounds = array<i64: 5>, scalar_prefetch = 0 : i64, scratch_operands = 0 : i64, tpu.core_type = #tpu.core_type<tc>, window_params = [{transform_indices = @transform_0, window_bounds = array<i64: 2000, 128>}, {pipeline_mode = #tpu.pipeline_mode<synchronous>, transform_indices = @transform_1, window_bounds = array<i64: 128, 128>}, {pipeline_mode = #tpu.pipeline_mode<synchronous>, transform_indices = @transform_2, window_bounds = array<i64: 128, 128>}, {pipeline_mode = #tpu.pipeline_mode<synchronous>, transform_indices = @transform_3, window_bounds = array<i64: 128, 32>}, {transform_indices = @transform_4, window_bounds = array<i64: 2000, 128>}, {transform_indices = @transform_5, window_bounds = array<i64: 2000, 128>}, {transform_indices = @transform_6, window_bounds = array<i64: 2000, 32>}]} {
    %get3A = arith.constant 0 : index
    %get3A_0 = arith.constant 0 : index
    %get3A_1 = vector.load %arg1[%get3A, %get3A_0] : memref<2000x128xf32, #tpu.memory_space<vmem>>, vector<2000x128xf32>
    %get3A_2 = arith.constant 0 : index
    %get3A_3 = arith.constant 0 : index
    %get3A_4 = vector.load %arg3[%get3A_2, %get3A_3] : memref<128x128xf32, #tpu.memory_space<vmem>>, vector<128x128xf32>
    %dot_general3A = arith.constant dense<0.000000e+00> : vector<2000x128xf32>
    %dot_general3A_5 = tpu.matmul %get3A_1, %get3A_4, %dot_general3A {dimension_numbers = #tpu.dot_dimension_numbers<[1], [0], [0], [1], [0, 0, 1, 1], [], []>, transpose_lhs_hint = false} : vector<2000x128xf32>, vector<128x128xf32>, vector<2000x128xf32> -> vector<2000x128xf32>
    %get3A_6 = arith.constant 0 : index
    %get3A_7 = arith.constant 0 : index
    %get3A_8 = vector.load %arg2[%get3A_6, %get3A_7] : memref<128x128xf32, #tpu.memory_space<vmem>>, vector<128x128xf32>
    %dot_general3A_9 = arith.constant dense<0.000000e+00> : vector<2000x128xf32>
    %dot_general3A_10 = tpu.matmul %get3A_1, %get3A_8, %dot_general3A_9 {dimension_numbers = #tpu.dot_dimension_numbers<[1], [0], [0], [1], [0, 0, 1, 1], [], []>, transpose_lhs_hint = false} : vector<2000x128xf32>, vector<128x128xf32>, vector<2000x128xf32> -> vector<2000x128xf32>
    %swap3A = arith.constant 0 : index
    %swap3A_11 = arith.constant 0 : index
    %swap3A_12 = vector.load %arg5[%swap3A, %swap3A_11] : memref<2000x128xf32, #tpu.memory_space<vmem>>, vector<2000x128xf32>
    tpu.vector_store %arg5[%swap3A, %swap3A_11], %dot_general3A_10 {strides = array<i32>} : memref<2000x128xf32, #tpu.memory_space<vmem>>, vector<2000x128xf32>,
    %swap3A_13 = arith.constant 0 : index
    %swap3A_14 = arith.constant 0 : index
    %swap3A_15 = vector.load %arg6[%swap3A_13, %swap3A_14] : memref<2000x128xf32, #tpu.memory_space<vmem>>, vector<2000x128xf32>
    tpu.vector_store %arg6[%swap3A_13, %swap3A_14], %dot_general3A_5 {strides = array<i32>} : memref<2000x128xf32, #tpu.memory_space<vmem>>, vector<2000x128xf32>,
    %get3A_16 = arith.constant 0 : index
    %get3A_17 = arith.constant 0 : index
    %get3A_18 = vector.load %arg4[%get3A_16, %get3A_17] : memref<128x32xf32, #tpu.memory_space<vmem>>, vector<128x32xf32>
    %dot_general3A_19 = arith.constant dense<0.000000e+00> : vector<2000x32xf32>
    %dot_general3A_20 = tpu.matmul %dot_general3A_5, %get3A_18, %dot_general3A_19 {dimension_numbers = #tpu.dot_dimension_numbers<[1], [0], [0], [1], [0, 0, 1, 1], [], []>, transpose_lhs_hint = false} : vector<2000x128xf32>, vector<128x32xf32>, vector<2000x32xf32> -> vector<2000x32xf32>
    %swap3A_21 = arith.constant 0 : index
    %swap3A_22 = arith.constant 0 : index
    %swap3A_23 = vector.load %arg7[%swap3A_21, %swap3A_22] : memref<2000x32xf32, #tpu.memory_space<vmem>>, vector<2000x32xf32>
    tpu.vector_store %arg7[%swap3A_21, %swap3A_22], %dot_general3A_20 {strides = array<i32>} : memref<2000x32xf32, #tpu.memory_space<vmem>>, vector<2000x32xf32>,
    return
  }
  func.func @transform_0(%arg0: i32) -> (i32, i32) {
    %c0_i32 = arith.constant 0 : i32
    %c0_i32_0 = arith.constant 0 : i32
    return %arg0, %c0_i32 : i32, i32
  }
  func.func @transform_1(%arg0: i32) -> (i32, i32) {
    %c0_i32 = arith.constant 0 : i32
    %c0_i32_0 = arith.constant 0 : i32
    %c0_i32_1 = arith.constant 0 : i32
    return %c0_i32, %c0_i32_0 : i32, i32
  }
  func.func @transform_2(%arg0: i32) -> (i32, i32) {
    %c0_i32 = arith.constant 0 : i32
    %c0_i32_0 = arith.constant 0 : i32
    %c0_i32_1 = arith.constant 0 : i32
    return %c0_i32, %c0_i32_0 : i32, i32
  }
  func.func @transform_3(%arg0: i32) -> (i32, i32) {
    %c0_i32 = arith.constant 0 : i32
    %c0_i32_0 = arith.constant 0 : i32
    %c0_i32_1 = arith.constant 0 : i32
    return %c0_i32, %c0_i32_0 : i32, i32
  }
  func.func @transform_4(%arg0: i32) -> (i32, i32) {
    %c0_i32 = arith.constant 0 : i32
    %c0_i32_0 = arith.constant 0 : i32
    return %arg0, %c0_i32 : i32, i32
  }
  func.func @transform_5(%arg0: i32) -> (i32, i32) {
    %c0_i32 = arith.constant 0 : i32
    %c0_i32_0 = arith.constant 0 : i32
    return %arg0, %c0_i32 : i32, i32
  }
  func.func @transform_6(%arg0: i32) -> (i32, i32) {
    %c0_i32 = arith.constant 0 : i32
    %c0_i32_0 = arith.constant 0 : i32
    return %arg0, %c0_i32 : i32, i32
  }
}

module attributes {stable_mosaic.version = 14 : i64} {
  func.func @_tc2_body(%arg0: i32, %arg1: memref<2000x128xf32, #tpu.memory_space<vmem>>, %arg2: memref<2000x128xf32, #tpu.memory_space<vmem>>, %arg3: memref<2x2000x128xf32, #tpu.memory_space<vmem>>, %arg4: memref<2x2000x16xf32, #tpu.memory_space<vmem>>, %arg5: memref<2000x128xf32, #tpu.memory_space<vmem>>) attributes {dimension_semantics = [#tpu.dimension_semantics<arbitrary>], iteration_bounds = array<i64: 5>, scalar_prefetch = 0 : i64, scratch_operands = 0 : i64, tpu.core_type = #tpu.core_type<tc>, window_params = [{transform_indices = @transform_0, window_bounds = array<i64: 2000, 128>}, {transform_indices = @transform_1, window_bounds = array<i64: 2000, 128>}, {transform_indices = @transform_2, window_bounds = array<i64: 2, 2000, 128>}, {transform_indices = @transform_3, window_bounds = array<i64: 2, 2000, 16>}, {transform_indices = @transform_4, window_bounds = array<i64: 2000, 128>}]} {
    %get3A = arith.constant 0 : index
    %get3A_0 = arith.constant 0 : index
    %get3A_1 = vector.load %arg1[%get3A, %get3A_0] : memref<2000x128xf32, #tpu.memory_space<vmem>>, vector<2000x128xf32>
    %get3A_2 = arith.constant 0 : index
    %get3A_3 = arith.constant 0 : index
    %get3A_4 = arith.constant 0 : index
    %get3A_5 = vector.load %arg3[%get3A_2, %get3A_3, %get3A_4] : memref<2x2000x128xf32, #tpu.memory_space<vmem>>, vector<1x2000x128xf32>
    %get3A_6 = vector.shape_cast %get3A_5 : vector<1x2000x128xf32> to vector<2000x128xf32>
    %get3A_7 = arith.constant 1 : index
    %get3A_8 = arith.constant 0 : index
    %get3A_9 = arith.constant 0 : index
    %get3A_10 = vector.load %arg3[%get3A_7, %get3A_8, %get3A_9] : memref<2x2000x128xf32, #tpu.memory_space<vmem>>, vector<1x2000x128xf32>
    %get3A_11 = vector.shape_cast %get3A_10 : vector<1x2000x128xf32> to vector<2000x128xf32>
    %add3A = arith.addf %get3A_6, %get3A_11 : vector<2000x128xf32>
    %get3A_12 = arith.constant 0 : index
    %get3A_13 = arith.constant 0 : index
    %get3A_14 = arith.constant 0 : index
    %get3A_15 = vector.load %arg4[%get3A_12, %get3A_13, %get3A_14] : memref<2x2000x16xf32, #tpu.memory_space<vmem>>, vector<1x2000x1xf32>
    %get3A_16 = vector.shape_cast %get3A_15 : vector<1x2000x1xf32> to vector<2000x1xf32>
    %get3A_17 = arith.constant 1 : index
    %get3A_18 = arith.constant 0 : index
    %get3A_19 = arith.constant 0 : index
    %get3A_20 = vector.load %arg4[%get3A_17, %get3A_18, %get3A_19] : memref<2x2000x16xf32, #tpu.memory_space<vmem>>, vector<1x2000x1xf32>
    %get3A_21 = vector.shape_cast %get3A_20 : vector<1x2000x1xf32> to vector<2000x1xf32>
    %add3A_22 = arith.addf %get3A_16, %get3A_21 : vector<2000x1xf32>
    %gt3A = arith.constant 0.000000e+00 : f32
    %gt3A_23 = vector.broadcast %gt3A : f32 to vector<2000x1xf32>
    %gt3A_24 = arith.cmpf ogt, %add3A_22, %gt3A_23 : vector<2000x1xf32>
    %div3A = arith.constant 1.000000e+00 : f32
    %div3A_25 = vector.broadcast %div3A : f32 to vector<2000x1xf32>
    %div3A_26 = arith.divf %div3A_25, %add3A_22 : vector<2000x1xf32>
    %jit3A = arith.constant 0.000000e+00 : f32
    %broadcast_in_dim3A = vector.broadcast %jit3A : f32 to vector<2000x1xf32>
    %select_n3A = arith.select %gt3A_24, %div3A_26, %broadcast_in_dim3A : vector<2000x1xi1>, vector<2000x1xf32>
    %get3A_27 = arith.constant 0 : index
    %get3A_28 = arith.constant 0 : index
    %get3A_29 = vector.load %arg2[%get3A_27, %get3A_28] : memref<2000x128xf32, #tpu.memory_space<vmem>>, vector<2000x128xf32>
    %mul3A = vector.broadcast %select_n3A : vector<2000x1xf32> to vector<2000x128xf32>
    %mul3A_30 = arith.mulf %add3A, %mul3A : vector<2000x128xf32>
    %add3A_31 = arith.addf %get3A_29, %mul3A_30 : vector<2000x128xf32>
    %broadcast_in_dim3A_32 = vector.shape_cast %gt3A_24 : vector<2000x1xi1> to vector<2000x1xi1>
    %broadcast_in_dim3A_33 = vector.broadcast %broadcast_in_dim3A_32 : vector<2000x1xi1> to vector<2000x128xi1>
    %select_n3A_34 = arith.select %broadcast_in_dim3A_33, %add3A_31, %get3A_1 : vector<2000x128xi1>, vector<2000x128xf32>
    %max3A = arith.constant 0.000000e+00 : f32
    %max3A_35 = vector.broadcast %max3A : f32 to vector<2000x128xf32>
    %max3A_36 = arith.maximumf %select_n3A_34, %max3A_35 : vector<2000x128xf32>
    %add3A_37 = arith.addf %get3A_1, %max3A_36 : vector<2000x128xf32>
    %swap3A = arith.constant 0 : index
    %swap3A_38 = arith.constant 0 : index
    %swap3A_39 = vector.load %arg5[%swap3A, %swap3A_38] : memref<2000x128xf32, #tpu.memory_space<vmem>>, vector<2000x128xf32>
    tpu.vector_store %arg5[%swap3A, %swap3A_38], %add3A_37 {strides = array<i32>} : memref<2000x128xf32, #tpu.memory_space<vmem>>, vector<2000x128xf32>,
    return
  }
  func.func @transform_0(%arg0: i32) -> (i32, i32) {
    %c0_i32 = arith.constant 0 : i32
    %c0_i32_0 = arith.constant 0 : i32
    return %arg0, %c0_i32 : i32, i32
  }
  func.func @transform_1(%arg0: i32) -> (i32, i32) {
    %c0_i32 = arith.constant 0 : i32
    %c0_i32_0 = arith.constant 0 : i32
    return %arg0, %c0_i32 : i32, i32
  }
  func.func @transform_2(%arg0: i32) -> (i32, i32, i32) {
    %c0_i32 = arith.constant 0 : i32
    %c0_i32_0 = arith.constant 0 : i32
    %c0_i32_1 = arith.constant 0 : i32
    return %c0_i32, %arg0, %c0_i32_0 : i32, i32, i32
  }
  func.func @transform_3(%arg0: i32) -> (i32, i32, i32) {
    %c0_i32 = arith.constant 0 : i32
    %c0_i32_0 = arith.constant 0 : i32
    %c0_i32_1 = arith.constant 0 : i32
    return %c0_i32, %arg0, %c0_i32_0 : i32, i32, i32
  }
  func.func @transform_4(%arg0: i32) -> (i32, i32) {
    %c0_i32 = arith.constant 0 : i32
    %c0_i32_0 = arith.constant 0 : i32
    return %arg0, %c0_i32 : i32, i32
  }
}

</mosaic_0001>

<sc_bundles>
// kernel: kernel.5.cloned.1.call-start
scs
__scs_entry_jumppad:
0x0: {  	(pc) =	sbr.rel $0x88, $3  }
0x1: {  	(tag) =	ssettag $0x0;
	lr =	simm.s32 $0x1  }
0x2: {  	[smem:$0x3F9C] =	sst lr;
	_ =	strace $0xD0000000  }
0x3: {  	_ = 	snop  }
0x4: {  	_ = 	snop  }
0x5: {  	_ = 	snop  }
0x6: {  	_ = 	snop  }
0x7: {  	_ = 	snop  }
__scs_overlays_trampoline_lowered:
0x8: {  	[smem:$0x3FAB] =	sst s0  }
0x9: {  	[smem:$0x3FAC] =	sst s1  }
0xa: {  	[smem:$0x3FAD] =	sst s2  }
0xb: {  	[smem:$0x3FAE] =	sst s3  }
0xc: {  	[smem:$0x3FAF] =	sst s4  }
0xd: {  	[smem:$0x3FB0] =	sst s5  }
0xe: {  	[smem:$0x3FB1] =	sst s6  }
0xf: {  	[smem:$0x3FB2] =	sst s7  }
0x10: {  	[smem:$0x3FB3] =	sst s8  }
0x11: {  	[smem:$0x3FB4] =	sst s9;
	s0 =	simm.s32 @!p0 $0x0  }
0x12: {  	s1 =	sld [smem:$0x3F9A];
	s0 =	simm.s32 @p0 $0x1  }
0x13: {  	[smem:$0x3FB5] =	sst s0;
	s0 =	simm.s32 @!p1 $0x0  }
0x14: {  	s2 =	sld [smem:$0x3F99];
	s0 =	simm.s32 @p1 $0x1  }
0x15: {  	[smem:$0x3FB6] =	sst s0;
	s0 =	simm.s32 @!p2 $0x0  }
0x16: {  	s3 =	sld [smem:$0x3FDB];
	s0 =	simm.s32 @p2 $0x1  }
0x17: {  	s4 =	simm.s32 $0x1BF5;
	[smem:$0x3FB8] =	sst s0  }
0x18: {  	s0 =	sld [smem:$0x3F9B];
	_ =	swait.ge [sflag:s4], $0x0  }
0x19: {  	s7 =	sld [smem:$0x3F9C]  }
0x1a: {  	s8 =	sadd.s32 $0xFFFFE003, lr  }
0x1b: {  	s9 =	sadd.s32 $0xFFFFFEF7, lr;
	s5 =	simm.s32 $0xFFFFFFFF;
	p2 =	slt.u32 s8, $0xFFFFF086  }
0x1c: {  	p1 =	slt.u32 s9, $0xF7A;
	s5 =	simm.s32 @!p2 $0x0  }
0x1d: {  	s5 =	simm.s32 @p1 $0x1;
	p0 =	seq.s32 s7, s2  }
0x1e: {  	s7 =	smul.u32 @!p0 $0xF7A, s2;
	p2 =	seq.s32 @!p0 s5, $0x0  }
0x1f: {  	s9 =	smul.u32 $0xF7A, s1;
	s8 =	simm.s32 @!p0 $0x1BF5;
	p2 =	por !p2, p0  }
0x20: {  	[sflag:s8] =	ssyncset.s32 @!p0 $0xFFFFF086;
	s6 =	sadd.s32 @!p0 s3, s7;
	s7 =	simm.s32 @!p0 $0x108  }
0x21: {  	s3 =	sadd.s32 s3, s9;
	s6 =	sadd.s32 @!p0 $0x88, s6;
	s7 =	simm.s32 @p2 $0x1082  }
0x22: {  	[simem:s7], [sflag:s8] =	dma.local @!p0 [hbm:s6], $0xF7A  }
0x23: {  	s9 =	sor.u32 $0xD0000000, s2;
	s6 =	simm.s32 $0x108;
	_ =	swait.ge @!p0 [sflag:s8], $0x0  }
0x24: {  	s3 =	sadd.s32 $0x88, s3;
	s6 =	simm.s32 @!p1 $0x1082;
	[sflag:s4] =	ssyncset.s32 $0xFFFFF086  }
0x25: {  	[simem:s6], [sflag:s4] =	dma.local [hbm:s3], $0xF7A  }
0x26: {  	[smem:$0x3F9C] =	sst s1;
	(tag) =	ssettag s2;
	_ =	strace s9  }
0x27: {  	s1 =	sld [smem:$0x3FAC]  }
0x28: {  	s2 =	sld [smem:$0x3FAD]  }
0x29: {  	s4 =	sld [smem:$0x3FAF]  }
0x2a: {  	p0 =	seq.s32 s5, $0x0;
	s5 =	sld [smem:$0x3FB0]  }
0x2b: {  	s6 =	sld [smem:$0x3FB1]  }
0x2c: {  	s7 =	sld [smem:$0x3FB2]  }
0x2d: {  	s3 =	simm.s32 $0x108;
	s8 =	sld [smem:$0x3FB3]  }
0x2e: {  	s3 =	simm.s32 @!p0 $0x1082;
	s9 =	sld [smem:$0x3FB4]  }
0x2f: {  	lr =	sadd.s32 s0, s3;
	s0 =	sld [smem:$0x3FAB]  }
0x30: {  	s3 =	sld [smem:$0x3FAE]  }
0x31: {  	[smem:$0x3FB7] =	sst s10  }
0x32: {  	s10 =	sld [smem:$0x3FB5];
	_ =	sdelay $0x3  }
0x33: {  	p0 =	seq.s32 s10, $0x1;
	s10 =	sld [smem:$0x3FB7];
	_ =	sdelay $0x3  }
0x34: {  	[smem:$0x3FB7] =	sst s10  }
0x35: {  	s10 =	sld [smem:$0x3FB6];
	_ =	sdelay $0x3  }
0x36: {  	p1 =	seq.s32 s10, $0x1;
	s10 =	sld [smem:$0x3FB7];
	_ =	sdelay $0x3  }
0x37: {  	[smem:$0x3FB7] =	sst s10  }
0x38: {  	s10 =	sld [smem:$0x3FB8]  }
0x39: {  	_ = 	snop;
	(pc) =	sbr.ind lr, $3  }
0x3a: {  	_ = 	snop  }
0x3b: {  	_ = 	snop  }
0x3c: {  	p2 =	seq.s32 s10, $0x1;
	s10 =	sld [smem:$0x3FB7]  }
0x3d: {  	_ =	shalt  }
0x3e: {  	_ =	shalt  }
0x3f: {  	_ =	shalt  }
0x40: {  	_ =	shalt  }
0x41: {  	_ =	shalt  }
0x42: {  	_ =	shalt  }
0x43: {  	_ =	shalt  }
0x44: {  	_ =	shalt  }
0x45: {  	_ =	shalt  }
0x46: {  	_ =	shalt  }
0x47: {  	_ =	shalt  }
0x48: {  	_ =	shalt  }
0x49: {  	_ =	shalt  }
0x4a: {  	_ =	shalt  }
0x4b: {  	_ =	shalt  }
0x4c: {  	_ =	shalt  }
0x4d: {  	_ =	shalt  }
0x4e: {  	_ =	shalt  }
0x4f: {  	_ =	shalt  }
0x50: {  	_ =	shalt  }
0x51: {  	_ =	shalt  }
0x52: {  	_ =	shalt  }
0x53: {  	_ =	shalt  }
0x54: {  	_ =	shalt  }
0x55: {  	_ =	shalt  }
0x56: {  	_ =	shalt  }
0x57: {  	_ =	shalt  }
0x58: {  	_ =	shalt  }
0x59: {  	_ =	shalt  }
0x5a: {  	_ =	shalt  }
0x5b: {  	_ =	shalt  }
0x5c: {  	_ =	shalt  }
0x5d: {  	_ =	shalt  }
0x5e: {  	_ =	shalt  }
0x5f: {  	_ =	shalt  }
0x60: {  	_ =	shalt  }
0x61: {  	_ =	shalt  }
0x62: {  	_ =	shalt  }
0x63: {  	_ =	shalt  }
0x64: {  	_ =	shalt  }
0x65: {  	_ =	shalt  }
0x66: {  	_ =	shalt  }
0x67: {  	_ =	shalt  }
0x68: {  	_ =	shalt  }
0x69: {  	_ =	shalt  }
0x6a: {  	_ =	shalt  }
0x6b: {  	_ =	shalt  }
0x6c: {  	_ =	shalt  }
0x6d: {  	_ =	shalt  }
0x6e: {  	_ =	shalt  }
0x6f: {  	_ =	shalt  }
0x70: {  	_ =	shalt  }
0x71: {  	_ =	shalt  }
0x72: {  	_ =	shalt  }
0x73: {  	_ =	shalt  }
0x74: {  	_ =	shalt  }
0x75: {  	_ =	shalt  }
0x76: {  	_ =	shalt  }
0x77: {  	_ =	shalt  }
0x78: {  	_ =	shalt  }
0x79: {  	_ =	shalt  }
0x7a: {  	_ =	shalt  }
0x7b: {  	_ =	shalt  }
0x7c: {  	_ =	shalt  }
0x7d: {  	_ =	shalt  }
0x7e: {  	_ =	shalt  }
0x7f: {  	_ =	shalt  }
0x80: {  	_ =	shalt  }
0x81: {  	_ =	shalt  }
0x82: {  	_ =	shalt  }
0x83: {  	_ =	shalt  }
0x84: {  	_ =	shalt  }
0x85: {  	_ =	shalt  }
0x86: {  	_ =	shalt  }
0x87: {  	_ =	shalt  }
.Lfunc_end0:
.L_simem_size_0:
called_computation_lowered:
.L_overlay_start_0:
0x88: {  	s2 =	sld [smem:$0x3FD9]  }
0x89: {  	s3 =	sld [smem:$0x3FFE];
	_ =	sdelay $0x1  }
0x8a: {  	s1 =	srdreg.scid  }
0x8b: {  	s0 =	sand.u32 $0x1, s1  }
0x8c: {  	s17 =	sshll.u32 s0, $0xA;
	s2 =	sadd.s32 s3, s2  }
0x8d: {  	s2 =	sadd.s32 s2, s17  }
0x8e: {  	[smem:$0x3FC3] =	sst s2  }
0x8f: {  	_ = 	snop  }
0x90: {  	s2 =	sld [smem:$0x3FD0];
	(tm) =	ssettm $0x1  }
0x91: {  	s18 =	sld [smem:$0x3FFB];
	_ =	sdelay $0x3  }
0x92: {  	_ =	strace s18  }
0x93: {  	s3 =	sld [smem:$0x3FFC];
	_ =	sdelay $0x3  }
0x94: {  	_ =	strace s3  }
0x95: {  	s3 =	sld [smem:$0x3FFD];
	_ =	sdelay $0x3  }
0x96: {  	_ =	strace s3  }
0x97: {  	_ =	strace $0x8FFFFFFF  }
0x98: {  	s19 =	sld [smem:$0x3FDB];
	_ =	sdelay $0x1  }
0x99: {  	s4 =	simm.s32 $_scs_section_size  }
0x9a: {  	s5 =	simm.s32 $_size__tile_overlayer_lowered;
	s6 =	simm.s32 $_tile_overlayer_lowered  }
0x9b: {  	s22 =	simm.s32 $0x1BFF;
	s21 =	sshll.u32 s6, $0x1;
	s3 =	sadd.s32 s4, s19  }
0x9c: {  	s7 =	simm.s32 $0x0;
	s20 =	sshll.u32 s5, $0x1;
	s5 =	sadd.s32 s21, s3  }
0x9d: {  	[timem:s7], [sflag:s22] =	dma.local [hbm:s5], s20  }
0x9e: {  	_ =	swait.ge [sflag:s22], s20  }
0x9f: {  	s4 =	ssub.s32 $0x0, s20;
	[sflag:s22] =	ssyncset.done $0x0  }
0xa0: {  	[sflag:s22] =	ssyncadd.s32 s4;
	_ =	sdelay $0x1  }
0xa1: {  	s23 =	simm.s32 $0x1B8B  }
0xa2: {  	_ =	swait.ge [sflag:s23], $0x1  }
0xa3: {  	[sflag:s23] =	ssyncset.done $0x0  }
0xa4: {  	s25 =	simm.s32 $0x1B8E;
	s24 =	sld [smem:$0x3FFE];
	[sflag:s23] =	ssyncadd.s32 $0xFFFFFFFF  }
0xa5: {  	s26 =	simm.s32 $execute0_lowered;
	[smem:$0x3FD2] =	sst s25  }
0xa6: {  	s5 =	sshll.u32 s26, $0x1;
	_ =	strace $0x80000046;
	[dreg:$0x1] =	wrdreg $0xFFFFFFFF  }
0xa7: {  	s28 =	simm.s32 $_size_execute0_lowered;
	s3 =	sadd.s32 s3, s5;
	[dreg:$0x0] =	wrdreg $0x0  }
0xa8: {  	s5 =	sshll.u32 s28, $0x1;
	[dreg:$0x2] =	wrdreg s3  }
0xa9: {  	[dreg:$0x3] =	wrdreg s5  }
0xaa: {  	[dreg:$0x4] =	wrdreg $0xC0  }
0xab: {  	_ =	task [dreg:s7], $0x5FFFF  }
0xac: {  	[dreg:$0x1] =	wrdreg $0xFFFFFFFF  }
0xad: {  	[dreg:$0x0] =	wrdreg $0x60  }
0xae: {  	[dreg:$0x2] =	wrdreg s2  }
0xaf: {  	[dreg:$0x3] =	wrdreg s24  }
0xb0: {  	[dreg:$0x4] =	wrdreg $0x59000  }
0xb1: {  	[dreg:$0x5] =	wrdreg $0x195000  }
0xb2: {  	[dreg:$0x6] =	wrdreg $0x9  }
0xb3: {  	_ =	task.clear_ibuf [dreg:s7], $0x7FFFF;
	_ =	strace $0x90000046  }
0xb4: {  	s29 =	simm.s32 $0x9;
	_ =	strace $0x80000048  }
0xb5: {  	_ =	swait.ge [sflag:s29], $0x1  }
0xb6: {  	[sflag:s29] =	ssyncadd.s32 $0xFFFFFFFF  }
0xb7: {  	_ =	strace $0x90000048  }
0xb8: {  	_ =	sfence  }
0xb9: {  	s30 =	sld [smem:$0x0];
	_ =	sdelay $0x2  }
0xba: {  	s31 =	sshll.u32 s1, $0xD;
	s1 =	sshrl.u32 s1, $0x2  }
0xbb: {  	s3 =	sand.u32 $0x4000, s31;
	s1 =	sadd.s32 s1, s30  }
0xbc: {  	s0 =	sor.u32 s3, s0;
	s1 =	sshll.u32 s1, $0x11  }
0xbd: {  	s0 =	sor.u32 s1, s0  }
0xbe: {  	s0 =	sadd.s32 $0x8F2B, s0  }
0xbf: {  	[sflag:s0] =	ssyncadd.remote.s32 $0x1  }
0xc0: {  	_ =	sfence.sel $0xFFFF  }
0xc1: {  	[dreg:$0x0] =	wrdreg $0xFFFFFFFF;
	(pc) =	sbr.abs _section_cstart, $3  }
0xc2: {  	[dreg:$0x1] =	wrdreg $0xFFFFFFFF  }
0xc3: {  	_ =	task.clear_ibuf [dreg:s7], $0x2FFFF;
	_ =	strace $0x9FFFFFFF  }
0xc4: {  	(tm) =	ssettm $0x7FFFFFFF  }
0xc5: {  	_ =	shalt  }
tec
execute0_lowered:
.L_overlay_start_1:
0x0: {  	(tag) =	ssettag $0x1  }
0x1: {  	s1 =	rddreg [dreg:$0x0]  }
0x2: {  	s0 =	rddreg [dreg:$0x1]  }
0x3: {  	s2 =	rddreg [dreg:$0x2]  }
0x4: {  	s3 =	rddreg [dreg:$0x3];
	s4 =	simm.s32 $0x0;
	s6 =	srdreg.scid  }
0x5: {  	s26 =	stileid.u32;
	s31 =	simm.s32 $0x1100;
	[smem:$0x7FF] =	sst s4  }
0x6: {  	s5 =	sadd.s32 $0x19200, s0;
	s7 =	sadd.s32 $0x14200, s0;
	s13 =	smul.u32 $0x4F000, s26  }
0x7: {  	s8 =	sadd.s32 $0xA400, s0;
	s6 =	sand.u32 $0x1, s6;
	s17 =	smul.u32 $0x9E00, s26  }
0x8: {  	s9 =	sadd.s32 $0x600, s0;
	s11 =	sadd.s32 $0x28000, s0;
	s15 =	smul.u32 $0x278, s26  }
0x9: {  	s0 =	sadd.s32 $0x1E200, s0;
	s23 =	smul.u32 $0x2700, s26;
	p0 =	sne.s32 s26, $0xF  }
0xa: {  	_ =	strace $0x80000047;
	s10 =	ssub.s32 $0x2, s6;
	s19 =	smul.u32 $0x138800, s6  }
0xb: {  	s14 =	sshll.u32 s6, $0x4;
	s6 =	smul.u32 $0x27100, s6;
	s12 =	sshrl.u32 s10, $0x1  }
0xc: {  	s13 =	sshrl.u32 s13, $0x2;
	s14 =	sor.u32 s26, s14;
	s18 =	sadd.s32 $0x80, s15  }
0xd: {  	s20 =	sadd.s32 $0x100, s15;
	s24 =	sadd.s32 $0x180, s15;
	s15 =	sadd.s32 $0x200, s15  }
0xe: {  	s10 =	ssub.s32 s10, s12;
	s13 =	sadd.s32 s13, s2;
	s12 =	sshrl.u32 s17, $0x2  }
0xf: {  	s16 =	sshll.u32 s18, $0x7;
	s17 =	smul.u32 $0x13800, s26;
	s22 =	sadd.s32 s23, s6  }
0x10: {  	s6 =	sshrl.u32 s6, $0x3;
	[dreg:$0x5] =	wrdreg s13;
	s12 =	sadd.s32 s12, s3  }
0x11: {  	s16 =	sadd.s32 s16, s2;
	s13 =	sshrl.u32 s19, $0x3;
	[dreg:$0x6] =	wrdreg s12  }
0x12: {  	s12 =	sshll.u32 s18, $0x4;
	[dreg:$0x7] =	wrdreg s16;
	s21 =	sadd.s32 s17, s19  }
0x13: {  	s18 =	sshll.u32 s20, $0x7;
	s17 =	sadd.s32 s17, s2;
	s12 =	sadd.s32 s12, s3  }
0x14: {  	s16 =	sshrl.u32 s21, $0x3;
	s25 =	sadd.s32 s18, s2;
	s18 =	sadd.s32 s23, s3  }
0x15: {  	s26 =	sshrl.u32 s17, $0x3;
	[dreg:$0x8] =	wrdreg s12;
	s16 =	sadd.s32 s11, s16  }
0x16: {  	s11 =	sadd.s32 s11, s13;
	s12 =	sshll.u32 s20, $0x4;
	s13 =	sshrl.u32 s22, $0x3  }
0x17: {  	[dreg:$0xb] =	wrdreg s25;
	s22 =	smul.u32 $0x2780, s14;
	s25 =	smax.u32 s10, $0x1  }
0x18: {  	s28 =	sshrl.u32 s18, $0x3;
	s10 =	simm.s32 $0x80;
	[dreg:$0x9] =	wrdreg s16  }
0x19: {  	s13 =	sadd.s32 s0, s13;
	s0 =	sadd.s32 s0, s6;
	s12 =	sadd.s32 s12, s3  }
0x1a: {  	s6 =	sshll.u32 s24, $0x4;
	s16 =	sshll.u32 s15, $0x7;
	[dreg:$0xa] =	wrdreg s13  }
0x1b: {  	v0 =	vlaneseq.u32;
	s23 =	sadd.s32 $0x27000, s11;
	s11 =	simm.s32 $0x100;
	[dreg:$0xc] =	wrdreg s12  }
0x1c: {  	v0 =	vmul.u32 $0x10, v0;
	s13 =	sshll.u32 s24, $0x7;
	s19 =	sadd.s32 s6, s3;
	s20 =	sadd.s32 s16, s2  }
0x1d: {  	s24 =	sadd.s32 $0x4E00, s0;
	s0 =	sadd.s32 $0x138000, s2;
	s6 =	sadd.s32 $0x27000, s3  }
0x1e: {  	v1 =	vimm.f32 $0.0e+00;
	v2 =	vor.u32 $0x100, v0;
	s12 =	sadd.s32 s13, s2;
	s29 =	sshrl.u32 @!p0 s0, $0x3;
	s30 =	sshrl.u32 @!p0 s6, $0x3  }
0x1f: {  	v3 =	vor.u32 $0x200, v0;
	v4 =	vor.u32 $0x300, v0;
	v5 =	vor.u32 $0x400, v0;
	s0 =	simm.s32 $0x1;
	[dreg:$0xd] =	wrdreg s12;
	s12 =	sshll.u32 s15, $0x4  }
0x20: {  	v6 =	vor.u32 $0x500, v0;
	v7 =	vor.u32 $0x600, v0;
	v8 =	vor.u32 $0x700, v0;
	s6 =	simm.s32 $0x5100;
	s21 =	sadd.s32 s12, s3;
	s12 =	simm.s32 $0x900  }
.LBB2_1:
0x21: {  	s14 =	simm.s32 $0x0  }
0x22: {  	s13 =	simm.s32 $0x1140;
	[tilespmem:s14+$0x5100] =	vst v1;
	s14 =	simm.s32 $0x40  }
.LBB2_2:
0x23: {  	p1 =	sne.s32 s14, $0x1FC0;
	[tilespmem:s13+$0xFFFFFFC0] =	vst v1  }
0x24: {  	[tilespmem:s13+$0xFFFFFFD0] =	vst v1  }
0x25: {  	[tilespmem:s13+$0xFFFFFFE0] =	vst v1  }
0x26: {  	[tilespmem:s13+$0xFFFFFFF0] =	vst v1  }
.Ltmp0:
0x27: {  	[tilespmem:s13+$0x0] =	vst v1;
	(pc) =	sbr.rel @p1 .LBB2_2-.Ltmp0, $4  }
0x28: {  	[tilespmem:s13+$0x10] =	vst v1  }
0x29: {  	[tilespmem:s13+$0x20] =	vst v1  }
0x2a: {  	s15 =	sshra.s32 s14, $0x2;
	[tilespmem:s13+$0x30] =	vst v1  }
0x2b: {  	s14 =	sadd.s32 $0x40, s14;
	s13 =	sadd.s32 $0x80, s13;
	[tilespmem:s15+$0x5100] =	vst v1  }
0x2c: {  	[tilespmem:s13+$0xFFFFFFC0] =	vst v1  }
0x2d: {  	[tilespmem:s13+$0xFFFFFFD0] =	vst v1  }
0x2e: {  	[tilespmem:s13+$0xFFFFFFE0] =	vst v1  }
0x2f: {  	[tilespmem:s13+$0xFFFFFFF0] =	vst v1  }
0x30: {  	[tilespmem:s13+$0x0] =	vst v1  }
0x31: {  	[tilespmem:s13+$0x10] =	vst v1  }
0x32: {  	[tilespmem:s13+$0x20] =	vst v1  }
0x33: {  	[tilespmem:s13+$0x30] =	vst v1;
	s17 =	rddreg [dreg:$0x5]  }
0x34: {  	[spmem:s17] =	stream.linear.scatter [tilespmem:s31], [sflag:$0x1], $0x4000, $0x38;
	[tilespmem:$0x1BC80] =	vst v63  }
0x35: {  	_ =	swait.ge [sflag:s0], $0x4000  }
0x36: {  	[sflag:s0] =	ssyncset.done $0x0  }
0x37: {  	s18 =	rddreg [dreg:$0x6];
	[sflag:s0] =	ssyncadd.s32 $0xFFFFC000  }
0x38: {  	[spmem:s18] =	stream.linear.scatter [tilespmem:s6], [sflag:$0x1], $0x800, $0x38;
	[tilespmem:$0x1BC80] =	vst v63  }
0x39: {  	_ =	swait.ge [sflag:s0], $0x800  }
0x3a: {  	[sflag:s0] =	ssyncset.done $0x0  }
0x3b: {  	s14 =	rddreg [dreg:$0x7];
	[sflag:s0] =	ssyncadd.s32 $0xFFFFF800  }
0x3c: {  	[spmem:s14] =	stream.linear.scatter [tilespmem:s31], [sflag:$0x1], $0x4000, $0x38;
	[tilespmem:$0x1BC80] =	vst v63  }
0x3d: {  	_ =	swait.ge [sflag:s0], $0x4000  }
0x3e: {  	[sflag:s0] =	ssyncset.done $0x0  }
0x3f: {  	s15 =	rddreg [dreg:$0x8];
	[sflag:s0] =	ssyncadd.s32 $0xFFFFC000  }
0x40: {  	[spmem:s15] =	stream.linear.scatter [tilespmem:s6], [sflag:$0x1], $0x800, $0x38;
	[tilespmem:$0x1BC80] =	vst v63  }
0x41: {  	_ =	swait.ge [sflag:s0], $0x800  }
0x42: {  	[sflag:s0] =	ssyncset.done $0x0  }
0x43: {  	s16 =	rddreg [dreg:$0xb];
	[sflag:s0] =	ssyncadd.s32 $0xFFFFF800  }
0x44: {  	[spmem:s16] =	stream.linear.scatter [tilespmem:s31], [sflag:$0x1], $0x4000, $0x38;
	[tilespmem:$0x1BC80] =	vst v63  }
0x45: {  	_ =	swait.ge [sflag:s0], $0x4000  }
0x46: {  	[sflag:s0] =	ssyncset.done $0x0  }
0x47: {  	s17 =	rddreg [dreg:$0xc];
	[sflag:s0] =	ssyncadd.s32 $0xFFFFC000  }
0x48: {  	[spmem:s17] =	stream.linear.scatter [tilespmem:s6], [sflag:$0x1], $0x800, $0x38;
	[tilespmem:$0x1BC80] =	vst v63  }
0x49: {  	_ =	swait.ge [sflag:s0], $0x800  }
0x4a: {  	[sflag:s0] =	ssyncset.done $0x0  }
0x4b: {  	s18 =	rddreg [dreg:$0xd];
	[sflag:s0] =	ssyncadd.s32 $0xFFFFF800  }
0x4c: {  	[spmem:s18] =	stream.linear.scatter [tilespmem:s31], [sflag:$0x1], $0x4000, $0x38;
	[tilespmem:$0x1BC80] =	vst v63  }
0x4d: {  	_ =	swait.ge [sflag:s0], $0x4000  }
0x4e: {  	[sflag:s0] =	ssyncset.done $0x0  }
0x4f: {  	[sflag:s0] =	ssyncadd.s32 $0xFFFFC000  }
0x50: {  	[spmem:s19] =	stream.linear.scatter [tilespmem:s6], [sflag:$0x1], $0x800, $0x38;
	[tilespmem:$0x1BC80] =	vst v63  }
0x51: {  	_ =	swait.ge [sflag:s0], $0x800  }
0x52: {  	[sflag:s0] =	ssyncset.done $0x0  }
0x53: {  	[sflag:s0] =	ssyncadd.s32 $0xFFFFF800  }
0x54: {  	[spmem:s20] =	stream.linear.scatter [tilespmem:s31], [sflag:$0x1], $0x3C00, $0x38;
	[tilespmem:$0x1BC80] =	vst v63  }
0x55: {  	_ =	swait.ge [sflag:s0], $0x3C00  }
0x56: {  	[sflag:s0] =	ssyncset.done $0x0  }
0x57: {  	[sflag:s0] =	ssyncadd.s32 $0xFFFFC400  }
0x58: {  	[spmem:s21] =	stream.linear.scatter [tilespmem:s6], [sflag:$0x1], $0x780, $0x38;
	[tilespmem:$0x1BC80] =	vst v63  }
0x59: {  	_ =	swait.ge [sflag:s0], $0x780  }
0x5a: {  	[sflag:s0] =	ssyncset.done $0x0  }
0x5b: {  	[sflag:s0] =	ssyncadd.s32 $0xFFFFF880  }
0x5c: {  	s13 =	simm.s32 $0x0;
	s14 =	simm.s32 $0x0;
	[bflag:$0x0] =	sbarrier.arrive $0xFFFF  }
.LBB2_4:
0x5d: {  	s15 =	sshll.u32 s14, $0x7  }
0x5e: {  	s15 =	sadd.s32 s22, s15  }
0x5f: {  	s15 =	sshrl.u32 s15, $0x3  }
0x60: {  	s16 =	sadd.s32 s8, s15  }
0x61: {  	[tilespmem:s13], [sflag:$0x1] =	stream.linear.gather [hbm4b:s16+s13], $0x80, $0x38;
	[tilespmem:$0x1BC80] =	vst v63  }
0x62: {  	_ =	swait.ge [sflag:s0], $0x80  }
0x63: {  	[sflag:s0] =	ssyncset.done $0x0  }
0x64: {  	s15 =	sadd.s32 s9, s15;
	[sflag:s0] =	ssyncadd.s32 $0xFFFFFF80  }
0x65: {  	[tilespmem:s10], [sflag:$0x1] =	stream.linear.gather [hbm4b:s15+s13], $0x80, $0x38;
	[tilespmem:$0x1BC80] =	vst v63  }
0x66: {  	_ =	swait.ge [sflag:s0], $0x80  }
0x67: {  	[sflag:s0] =	ssyncset.done $0x0  }
0x68: {  	[sflag:s0] =	ssyncadd.s32 $0xFFFFFF80  }
0x69: {  	[tilespmem:s31], [sflag:$0x1] =	stream.indirect.gather [hbm4b:s1+s10], $0x80, s13, s10, $0xb8;
	[tilespmem:$0x1BC80] =	vst v63  }
0x6a: {  	_ =	swait.ge [sflag:s0], $0x4000  }
0x6b: {  	[sflag:s0] =	ssyncset.done $0x0  }
0x6c: {  	[sflag:s0] =	ssyncadd.s32 $0xFFFFC000  }
0x6d: {  	[tilespmem:s11], [sflag:$0x1] =	stream.indirect.gather [hbm4b:s5+s10], $0x10, s13, s10, $0xb8;
	[tilespmem:$0x1BC80] =	vst v63  }
0x6e: {  	_ =	swait.ge [sflag:s0], $0x800  }
0x6f: {  	[sflag:s0] =	ssyncset.done $0x0  }
0x70: {  	[sflag:s0] =	ssyncadd.s32 $0xFFFFF800  }
0x71: {  	[tilespmem:s12], [sflag:$0x1] =	stream.indirect.gather [hbm4b:s7+s10], $0x10, s10, s10, $0xb8;
	[tilespmem:$0x1BC80] =	vst v63  }
0x72: {  	_ =	swait.ge [sflag:s0], $0x800  }
0x73: {  	[sflag:s0] =	ssyncset.done $0x0  }
0x74: {  	[sflag:s0] =	ssyncadd.s32 $0xFFFFF800  }
0x75: {  	v9 =	vld.idx.msk [tilespmem:v0+s11+$0x0], $0xffff  }
0x76: {  	v10 =	vld.idx.msk [tilespmem:v0+s12+$0x0], $0xffff;
	_ =	sdelay $0x4  }
0x77: {  	v9 =	vadd.f32 v10, v9;
	_ =	sdelay $0x1  }
0x78: {  	v10 =	vmul.f32 $9.999999770e-03, v9;
	_ =	sdelay $0x1  }
0x79: {  	v9 =	vmax.f32 v9, v10  }
0x7a: {  	v9 =	vmul.f32 $1.442695020e+00, v9;
	_ =	sdelay $0x1  }
0x7b: {  	(erf) = vpow2.f32 v9;
	_ =	sdelay $0x8  }
0x7c: {  	v9 =	vpop (erf)  }
0x7d: {  	[tilespmem:v0+s6+$0x0] =	vst.idx.msk $0xffff, v9  }
0x7e: {  	v9 =	vld.idx.msk [tilespmem:v2+s11+$0x0], $0xffff  }
0x7f: {  	v10 =	vld.idx.msk [tilespmem:v2+s12+$0x0], $0xffff;
	_ =	sdelay $0x4  }
0x80: {  	v9 =	vadd.f32 v10, v9;
	_ =	sdelay $0x1  }
0x81: {  	v10 =	vmul.f32 $9.999999770e-03, v9;
	_ =	sdelay $0x1  }
0x82: {  	v9 =	vmax.f32 v9, v10  }
0x83: {  	v9 =	vmul.f32 $1.442695020e+00, v9;
	_ =	sdelay $0x1  }
0x84: {  	(erf) = vpow2.f32 v9;
	_ =	sdelay $0x8  }
0x85: {  	v9 =	vpop (erf)  }
0x86: {  	[tilespmem:v2+s6+$0x0] =	vst.idx.msk $0xffff, v9  }
0x87: {  	v9 =	vld.idx.msk [tilespmem:v3+s11+$0x0], $0xffff  }
0x88: {  	v10 =	vld.idx.msk [tilespmem:v3+s12+$0x0], $0xffff;
	_ =	sdelay $0x4  }
0x89: {  	v9 =	vadd.f32 v10, v9;
	_ =	sdelay $0x1  }
0x8a: {  	v10 =	vmul.f32 $9.999999770e-03, v9;
	_ =	sdelay $0x1  }
0x8b: {  	v9 =	vmax.f32 v9, v10  }
0x8c: {  	v9 =	vmul.f32 $1.442695020e+00, v9;
	_ =	sdelay $0x1  }
0x8d: {  	(erf) = vpow2.f32 v9;
	_ =	sdelay $0x8  }
0x8e: {  	v9 =	vpop (erf)  }
0x8f: {  	[tilespmem:v3+s6+$0x0] =	vst.idx.msk $0xffff, v9  }
0x90: {  	v9 =	vld.idx.msk [tilespmem:v4+s11+$0x0], $0xffff  }
0x91: {  	v10 =	vld.idx.msk [tilespmem:v4+s12+$0x0], $0xffff;
	_ =	sdelay $0x4  }
0x92: {  	v9 =	vadd.f32 v10, v9;
	_ =	sdelay $0x1  }
0x93: {  	v10 =	vmul.f32 $9.999999770e-03, v9;
	_ =	sdelay $0x1  }
0x94: {  	v9 =	vmax.f32 v9, v10  }
0x95: {  	v9 =	vmul.f32 $1.442695020e+00, v9;
	_ =	sdelay $0x1  }
0x96: {  	(erf) = vpow2.f32 v9;
	_ =	sdelay $0x8  }
0x97: {  	v9 =	vpop (erf)  }
0x98: {  	[tilespmem:v4+s6+$0x0] =	vst.idx.msk $0xffff, v9  }
0x99: {  	v9 =	vld.idx.msk [tilespmem:v5+s11+$0x0], $0xffff  }
0x9a: {  	v10 =	vld.idx.msk [tilespmem:v5+s12+$0x0], $0xffff;
	_ =	sdelay $0x4  }
0x9b: {  	v9 =	vadd.f32 v10, v9;
	_ =	sdelay $0x1  }
0x9c: {  	v10 =	vmul.f32 $9.999999770e-03, v9;
	_ =	sdelay $0x1  }
0x9d: {  	v9 =	vmax.f32 v9, v10  }
0x9e: {  	v9 =	vmul.f32 $1.442695020e+00, v9;
	_ =	sdelay $0x1  }
0x9f: {  	(erf) = vpow2.f32 v9;
	_ =	sdelay $0x8  }
0xa0: {  	v9 =	vpop (erf)  }
0xa1: {  	[tilespmem:v5+s6+$0x0] =	vst.idx.msk $0xffff, v9  }
0xa2: {  	v9 =	vld.idx.msk [tilespmem:v6+s11+$0x0], $0xffff  }
0xa3: {  	v10 =	vld.idx.msk [tilespmem:v6+s12+$0x0], $0xffff;
	_ =	sdelay $0x4  }
0xa4: {  	v9 =	vadd.f32 v10, v9;
	_ =	sdelay $0x1  }
0xa5: {  	v10 =	vmul.f32 $9.999999770e-03, v9;
	_ =	sdelay $0x1  }
0xa6: {  	v9 =	vmax.f32 v9, v10  }
0xa7: {  	v9 =	vmul.f32 $1.442695020e+00, v9;
	_ =	sdelay $0x1  }
0xa8: {  	(erf) = vpow2.f32 v9;
	_ =	sdelay $0x8  }
0xa9: {  	v9 =	vpop (erf)  }
0xaa: {  	[tilespmem:v6+s6+$0x0] =	vst.idx.msk $0xffff, v9  }
0xab: {  	v9 =	vld.idx.msk [tilespmem:v7+s11+$0x0], $0xffff  }
0xac: {  	v10 =	vld.idx.msk [tilespmem:v7+s12+$0x0], $0xffff;
	_ =	sdelay $0x4  }
0xad: {  	v9 =	vadd.f32 v10, v9;
	_ =	sdelay $0x1  }
0xae: {  	v10 =	vmul.f32 $9.999999770e-03, v9;
	_ =	sdelay $0x1  }
0xaf: {  	v9 =	vmax.f32 v9, v10  }
0xb0: {  	v9 =	vmul.f32 $1.442695020e+00, v9;
	_ =	sdelay $0x1  }
0xb1: {  	(erf) = vpow2.f32 v9;
	_ =	sdelay $0x8  }
0xb2: {  	v9 =	vpop (erf)  }
0xb3: {  	[tilespmem:v7+s6+$0x0] =	vst.idx.msk $0xffff, v9  }
0xb4: {  	v9 =	vld.idx.msk [tilespmem:v8+s11+$0x0], $0xffff  }
0xb5: {  	v10 =	vld.idx.msk [tilespmem:v8+s12+$0x0], $0xffff;
	_ =	sdelay $0x4  }
0xb6: {  	v9 =	vadd.f32 v10, v9;
	_ =	sdelay $0x1  }
0xb7: {  	v10 =	vmul.f32 $9.999999770e-03, v9;
	_ =	sdelay $0x1  }
0xb8: {  	v9 =	vmax.f32 v9, v10  }
0xb9: {  	v9 =	vmul.f32 $1.442695020e+00, v9;
	_ =	sdelay $0x1  }
0xba: {  	(erf) = vpow2.f32 v9;
	_ =	sdelay $0x8  }
0xbb: {  	v9 =	vpop (erf)  }
0xbc: {  	s15 =	simm.s32 $0x1140;
	[tilespmem:v8+s6+$0x0] =	vst.idx.msk $0xffff, v9  }
0xbd: {  	v13 =	vld [tilespmem:s15+$0x30]  }
0xbe: {  	v16 =	vld [tilespmem:s15+$0x10]  }
0xbf: {  	s18 =	simm.s32 $0x0;
	v14 =	vld [tilespmem:s15+$0xFFFFFFC0]  }
0xc0: {  	v10 =	vld.msk [tilespmem:s18+$0x5100 ss:$0x0], $0xffff  }
0xc1: {  	v18 =	vld [tilespmem:s15+$0xFFFFFFE0]  }
0xc2: {  	v9 =	vld [tilespmem:s15+$0xFFFFFFF0]  }
0xc3: {  	v11 =	vld [tilespmem:s15+$0x20]  }
0xc4: {  	v12 =	vld [tilespmem:s15+$0xFFFFFFD0]  }
0xc5: {  	v17 =	vmul.f32 v13, v10;
	v13 =	vld [tilespmem:s15+$0x0]  }
0xc6: {  	v15 =	vmul.f32 v10, v14  }
0xc7: {  	s17 =	simm.s32 $0x1140;
	s16 =	simm.s32 $0x40;
	v14 =	vmul.f32 v18, v10;
	v16 =	vmul.f32 v16, v10  }
.LBB2_5:
0xc8: {  	p1 =	sne.s32 s16, $0x1FC0  }
0xc9: {  	v12 =	vmul.f32 v12, v10;
	v11 =	vmul.f32 v11, v10;
	[tilespmem:s15+$0x30] =	vst v17;
	s17 =	sadd.s32 $0x80, s17;
	s18 =	smov.u32 s16;
	s16 =	sadd.s32 $0x40, s16  }
0xca: {  	[tilespmem:s15+$0xFFFFFFC0] =	vst v15;
	v15 =	vmul.f32 v9, v10;
	v10 =	vmul.f32 v13, v10  }
0xcb: {  	[tilespmem:s15+$0x10] =	vst v16  }
0xcc: {  	[tilespmem:s15+$0xFFFFFFE0] =	vst v14  }
0xcd: {  	v9 =	vld [tilespmem:s17+$0xFFFFFFF0];
	[tilespmem:s15+$0xFFFFFFF0] =	vst v15  }
0xce: {  	v14 =	vld [tilespmem:s17+$0x30];
	[tilespmem:s15+$0x0] =	vst v10  }
0xcf: {  	v16 =	vld [tilespmem:s17+$0x10];
	[tilespmem:s15+$0x20] =	vst v11  }
0xd0: {  	s18 =	sshra.s32 s18, $0x2;
	v15 =	vld [tilespmem:s17+$0xFFFFFFC0];
	[tilespmem:s15+$0xFFFFFFD0] =	vst v12;
	s15 =	smov.u32 s17  }
0xd1: {  	v10 =	vld.msk [tilespmem:s18+$0x5100 ss:$0x0], $0xffff  }
0xd2: {  	v18 =	vld [tilespmem:s17+$0xFFFFFFE0]  }
0xd3: {  	v11 =	vld [tilespmem:s17+$0x20]  }
.Ltmp1:
0xd4: {  	v12 =	vld [tilespmem:s17+$0xFFFFFFD0];
	(pc) =	sbr.rel @p1 .LBB2_5-.Ltmp1, $3  }
0xd5: {  	v13 =	vld [tilespmem:s17+$0x0];
	_ =	sdelay $0x1  }
0xd6: {  	v15 =	vmul.f32 v10, v15;
	v17 =	vmul.f32 v14, v10  }
0xd7: {  	v16 =	vmul.f32 v16, v10;
	v14 =	vmul.f32 v18, v10  }
0xd8: {  	[tilespmem:s15+$0x30] =	vst v17  }
0xd9: {  	[tilespmem:s15+$0xFFFFFFC0] =	vst v15  }
0xda: {  	v9 =	vmul.f32 v9, v10;
	[tilespmem:s15+$0x10] =	vst v16  }
0xdb: {  	v11 =	vmul.f32 v11, v10;
	[tilespmem:s15+$0xFFFFFFE0] =	vst v14  }
0xdc: {  	v13 =	vmul.f32 v13, v10;
	[tilespmem:s15+$0xFFFFFFF0] =	vst v9  }
0xdd: {  	v9 =	vmul.f32 v12, v10;
	[tilespmem:s15+$0x20] =	vst v11  }
0xde: {  	[tilespmem:s15+$0x0] =	vst v13  }
0xdf: {  	[tilespmem:s15+$0xFFFFFFD0] =	vst v9  }
0xe0: {  	[spmem:s2] =	stream.indirect.scatter.add.f32 [tilespmem:s31], [sflag:$0x1], $0x80, s10, s10, $0xb8;
	[tilespmem:$0x1BC80] =	vst v63  }
0xe1: {  	s14 =	sadd.s32 $0x1, s14;
	_ =	swait.ge [sflag:s0], $0x4000  }
0xe2: {  	p1 =	sne.s32 s14, $0x4F;
	[sflag:s0] =	ssyncset.done $0x0  }
.Ltmp2:
0xe3: {  	[sflag:s0] =	ssyncadd.s32 $0xFFFFC000;
	(pc) =	sbr.rel @p1 .LBB2_4-.Ltmp2, $4  }
0xe4: {  	[spmem:s3] =	stream.indirect.scatter.add.f32 [tilespmem:s6], [sflag:$0x1], $0x10, s10, s10, $0xb8;
	[tilespmem:$0x1BC80] =	vst v63  }
0xe5: {  	_ =	swait.ge [sflag:s0], $0x800  }
0xe6: {  	[sflag:s0] =	ssyncset.done $0x0  }
0xe7: {  	[sflag:s0] =	ssyncadd.s32 $0xFFFFF800  }
0xe8: {  	s13 =	stileid.u32  }
0xe9: {  	[bflag:$0x0] =	sbarrier.arrive $0xFFFF;
	s13 =	sshll.u32 s13, $0x6  }
0xea: {  	s14 =	rddreg [dreg:$0x9];
	s13 =	sor.u32 $0x1C01, s13  }
0xeb: {  	[hbm:s14], [sflag:s13] =	dma.local [spmem:s26], $0x2700  }
0xec: {  	_ =	swait.ge [sflag:s0], $0x2700  }
0xed: {  	[sflag:s0] =	ssyncset.done $0x0  }
0xee: {  	s18 =	rddreg [dreg:$0xa];
	[sflag:s0] =	ssyncadd.s32 $0xFFFFD900  }
0xef: {  	[hbm:s18], [sflag:s13] =	dma.local [spmem:s28], $0x4E0  }
0xf0: {  	_ =	swait.ge [sflag:s0], $0x4E0  }
0xf1: {  	[sflag:s0] =	ssyncset.done $0x0  }
0xf2: {  	s14 =	simm.s32 @!p0 $0x1;
	[sflag:s0] =	ssyncadd.s32 $0xFFFFFB20  }
0xf3: {  	[hbm:s23], [sflag:s13] =	dma.local @!p0 [spmem:s29], $0x100  }
0xf4: {  	s4 =	sadd.s32 $0x1, s4;
	_ =	swait.ge @!p0 [sflag:s14], $0x100  }
0xf5: {  	p1 =	sne.s32 s4, s25;
	[sflag:s14] =	ssyncset.done @!p0 $0x0  }
.Ltmp3:
0xf6: {  	[sflag:s14] =	ssyncadd.s32 @!p0 $0xFFFFFF00;
	(pc) =	sbr.rel @p1 .LBB2_1-.Ltmp3, $4  }
0xf7: {  	[hbm:s24], [sflag:s13] =	dma.local @!p0 [spmem:s30], $0x20  }
0xf8: {  	_ =	swait.ge @!p0 [sflag:s14], $0x20  }
0xf9: {  	[sflag:s14] =	ssyncset.done @!p0 $0x0  }
0xfa: {  	[sflag:s14] =	ssyncadd.s32 @!p0 $0xFFFFFFE0  }
0xfb: {  	_ =	sfence.sel $0x180000  }
0xfc: {  	[bflag:$0x0] =	sbarrier.arrive $0xFFFF  }
0xfd: {  	_ =	strace $0x90000047  }
0xfe: {  	s0 =	stileid.u32;
	[bflag:$0x2] =	sbarrier.arrive $0xFFFF  }
0xff: {  	p0 =	sne.s32 s0, $0x0;
	s0 =	rddreg [dreg:$0x4]  }
0x100: {  	s0 =	sadd.s32 @!p0 $0x100000, s0  }
0x101: {  	[sflag:s0] =	ssyncadd.tile.s32 @!p0 $0x1;
	_ =	shalt  }
.Lfunc_end2:
_tile_overlayer_lowered:
.L_overlay_start_2:
0x102: {  	(tag) =	ssettag $0x2  }
0x103: {  	s0 =	rddreg [dreg:$0x0];
	s2 =	stileid.u32  }
0x104: {  	s1 =	rddreg [dreg:$0x1];
	p0 =	sne.s32 s2, $0x0  }
0x105: {  	s3 =	rddreg [dreg:$0x2];
	[bflag:$0x3] =	sbarrier.arrive $0xFFFF;
	s2 =	simm.s32 @!p0 $0x1C01  }
0x106: {  	[timem:s3], [sflag:s2] =	dma.local @!p0 [hbm:s0], s1  }
0x107: {  	s0 =	simm.s32 @!p0 $0x1  }
0x108: {  	_ =	swait.ge @!p0 [sflag:s0], s1  }
0x109: {  	s1 =	ssub.s32 @!p0 $0x0, s1;
	[sflag:s0] =	ssyncset.done @!p0 $0x0  }
0x10a: {  	[sflag:s0] =	ssyncadd.s32 @!p0 s1  }
0x10b: {  	[bflag:$0x3] =	sbarrier.arrive $0xFFFF  }
0x10c: {  	_ =	shalt  }

</sc_bundles>
